<compile_context>
chip_gen: v7x
topology: tpu7x:2x2x1
jax: 0.10.2.dev20260603
libtpu: 0.0.44.dev20260713+nightly
codegen_flags: <defaults>
</compile_context>

<pallas_src>
import functools

import jax
import jax.numpy as jnp
from jax import lax
from jax.experimental import pallas as pl
from jax.experimental.pallas import tpu as pltpu
from jax.experimental.pallas import tpu_sc as plsc

N = 10000
E = 320000
F_IN = 128
F_OUT = 64
NPAD = 10240
DSTPAD = N + 100
RPT = NPAD // 16
K = 128
CPW = 80
NW = 32
EPAD = NW * CPW * K
NBUF = 4

_mesh = plsc.VectorSubcoreMesh(core_axis_name="c", subcore_axis_name="s")


@functools.partial(
    pl.kernel,
    mesh=_mesh,
    out_type=(
        jax.ShapeDtypeStruct((NPAD,), jnp.float32),
        jax.ShapeDtypeStruct((NPAD,), jnp.float32),
    ),
    scratch_types=[
        pltpu.VMEM((CPW, K), jnp.int32),
        pltpu.VMEM((K,), jnp.float32),
        pltpu.VMEM_SHARED((NPAD,), jnp.float32),
    ],
)
def _deg_kernel(dst_hbm, ones_hbm, zeros_hbm, d0_hbm, d1_hbm, didx, ones_v, deg_s):
    c = lax.axis_index("c")
    s = lax.axis_index("s")
    wid = c * 16 + s
    pltpu.sync_copy(ones_hbm, ones_v)
    pltpu.sync_copy(dst_hbm.at[pl.ds(wid * CPW, CPW)], didx)
    pltpu.sync_copy(zeros_hbm, deg_s.at[pl.ds(s * RPT, RPT)])
    plsc.subcore_barrier()

    def body(j, carry):
        pltpu.sync_copy(ones_v, deg_s.at[didx.at[j]], add=True)
        return carry

    lax.fori_loop(0, CPW, body, 0)
    plsc.subcore_barrier()

    @pl.when(c == 0)
    def _():
        pltpu.sync_copy(deg_s.at[pl.ds(s * RPT, RPT)], d0_hbm.at[pl.ds(s * RPT, RPT)])

    @pl.when(c == 1)
    def _():
        pltpu.sync_copy(deg_s.at[pl.ds(s * RPT, RPT)], d1_hbm.at[pl.ds(s * RPT, RPT)])


@functools.partial(
    pl.kernel,
    mesh=_mesh,
    compiler_params=pltpu.CompilerParams(use_tc_tiling_on_sc=False),
    out_type=(
        jax.ShapeDtypeStruct((NPAD, F_OUT), jnp.float32),
        jax.ShapeDtypeStruct((NPAD, F_OUT), jnp.float32),
    ),
    scratch_types=[
        pltpu.VMEM((CPW, K), jnp.int32),
        pltpu.VMEM((CPW, K), jnp.int32),
        pltpu.VMEM((NBUF, K, F_OUT), jnp.float32),
        pltpu.VMEM_SHARED((NPAD, F_OUT), jnp.float32),
    ]
    + [pltpu.SemaphoreType.DMA] * NBUF,
)
def _agg_kernel(hs_hbm, src_hbm, dst_hbm, z2_hbm, p0_hbm, p1_hbm,
                sidx, didx, rows, part, *sems):
    c = lax.axis_index("c")
    s = lax.axis_index("s")
    wid = c * 16 + s
    pltpu.sync_copy(src_hbm.at[pl.ds(wid * CPW, CPW)], sidx)
    pltpu.sync_copy(dst_hbm.at[pl.ds(wid * CPW, CPW)], didx)
    pltpu.sync_copy(z2_hbm, part.at[pl.ds(s * RPT, RPT)])
    plsc.subcore_barrier()

    for b in range(NBUF):
        pltpu.async_copy(hs_hbm.at[sidx.at[b]], rows.at[b], sems[b])

    def body(i, carry):
        for b in range(NBUF):
            j = NBUF * i + b
            pltpu.make_async_copy(hs_hbm.at[sidx.at[j]], rows.at[b], sems[b]).wait()
            pltpu.sync_copy(rows.at[b], part.at[didx.at[j]], add=True)

            @pl.when(j + NBUF < CPW)
            def _():
                pltpu.async_copy(hs_hbm.at[sidx.at[j + NBUF]], rows.at[b], sems[b])

        return carry

    lax.fori_loop(0, CPW // NBUF, body, 0)
    plsc.subcore_barrier()

    @pl.when(c == 0)
    def _():
        pltpu.sync_copy(part.at[pl.ds(s * RPT, RPT)], p0_hbm.at[pl.ds(s * RPT, RPT)])

    @pl.when(c == 1)
    def _():
        pltpu.sync_copy(part.at[pl.ds(s * RPT, RPT)], p1_hbm.at[pl.ds(s * RPT, RPT)])


BLK = 1000


def _mm_body(x_ref, w_ref, d0_ref, d1_ref, hs_ref, dinv_ref):
    deg = d0_ref[...] + d1_ref[...] + 1.0
    dinv = lax.rsqrt(deg)
    h = jnp.dot(x_ref[...], w_ref[...], preferred_element_type=jnp.float32)
    hs_ref[...] = h * dinv
    dinv_ref[...] = dinv


_mm = pl.pallas_call(
    _mm_body,
    grid=(N // BLK,),
    in_specs=[
        pl.BlockSpec((BLK, F_IN), lambda i: (i, 0)),
        pl.BlockSpec((F_IN, F_OUT), lambda i: (0, 0)),
        pl.BlockSpec((BLK, 1), lambda i: (i, 0)),
        pl.BlockSpec((BLK, 1), lambda i: (i, 0)),
    ],
    out_specs=[
        pl.BlockSpec((BLK, F_OUT), lambda i: (i, 0)),
        pl.BlockSpec((BLK, 1), lambda i: (i, 0)),
    ],
    out_shape=[
        jax.ShapeDtypeStruct((N, F_OUT), jnp.float32),
        jax.ShapeDtypeStruct((N, 1), jnp.float32),
    ],
)


def _final_body(p0_ref, p1_ref, hs_ref, dinv_ref, b_ref, out_ref):
    acc = p0_ref[...] + p1_ref[...] + hs_ref[...]
    out_ref[...] = jnp.maximum(acc * dinv_ref[...] + b_ref[...], 0.0)


_final = pl.pallas_call(
    _final_body,
    grid=(N // BLK,),
    in_specs=[
        pl.BlockSpec((BLK, F_OUT), lambda i: (i, 0)),
        pl.BlockSpec((BLK, F_OUT), lambda i: (i, 0)),
        pl.BlockSpec((BLK, F_OUT), lambda i: (i, 0)),
        pl.BlockSpec((BLK, 1), lambda i: (i, 0)),
        pl.BlockSpec((1, F_OUT), lambda i: (0, 0)),
    ],
    out_specs=pl.BlockSpec((BLK, F_OUT), lambda i: (i, 0)),
    out_shape=jax.ShapeDtypeStruct((N, F_OUT), jnp.float32),
)


def kernel(x, edge_index, W, b):
    src = edge_index[0]
    dst = edge_index[1]
    pad = EPAD - E
    src_p = jnp.concatenate([src, jnp.zeros((pad,), jnp.int32)]).reshape(NW * CPW, K)
    dst_p = jnp.concatenate(
        [dst, jnp.full((pad,), DSTPAD, jnp.int32)]).reshape(NW * CPW, K)
    ones = jnp.ones((K,), jnp.float32)
    z1 = jnp.zeros((RPT,), jnp.float32)
    z2 = jnp.zeros((RPT, F_OUT), jnp.float32)
    d0, d1 = _deg_kernel(dst_p, ones, z1)
    hs, dinv = _mm(x, W, d0.reshape(NPAD, 1), d1.reshape(NPAD, 1))
    p0, p1 = _agg_kernel(hs, src_p, dst_p, z2)
    return _final(p0[:N], p1[:N], hs, dinv, b.reshape(1, F_OUT))

# --- scband reference (transcript-rebuilt; emitter-appended) ---
"""Pipeline reference for scband-simple-gcn-65584150609960 (READ-ONLY COPY).

The authoritative reference and input builder live on the scoring server;
editing this copy changes nothing except your own understanding.
"""

import jax, jax.numpy as jnp
import numpy as np

N_NODES = 10000
N_EDGES = 320000
F_IN = 128
F_OUT = 64


def setup_inputs(seed: int = 0) -> dict:
    key = jax.random.key(seed)
    k1, k2, k3 = jax.random.split(key, 3)
    x = jax.random.normal(k1, (N_NODES, F_IN), dtype=jnp.float32)
    edge_index = jax.random.randint(k2, (2, N_EDGES), 0, N_NODES, dtype=jnp.int32)
    # GCNConv learned params: glorot-ish weight + zero bias
    W = jax.random.normal(k3, (F_IN, F_OUT), dtype=jnp.float32) * (1.0 / np.sqrt(F_IN))
    b = jnp.zeros((F_OUT,), dtype=jnp.float32)
    return {"x": x, "edge_index": edge_index, "W": W, "b": b}


def reference(x, edge_index, W, b):
    # PyG GCNConv (add_self_loops=True, normalize=True):
    #   out = D^{-1/2} (A + I) D^{-1/2} (X W) + b
    n = x.shape[0]
    src = edge_index[0]
    dst = edge_index[1]
    loop = jnp.arange(n, dtype=src.dtype)
    src = jnp.concatenate([src, loop])
    dst = jnp.concatenate([dst, loop])
    # degree computed on dst (in-degree incl. self loops), scatter-add
    deg = jnp.zeros((n,), dtype=x.dtype).at[dst].add(1.0)
    dinv = jnp.where(deg > 0, jax.lax.rsqrt(deg), 0.0)
    norm = dinv[src] * dinv[dst]
    # dense transform then gather / scatter-add aggregation
    h = x @ W
    msg = jnp.take(h, src, axis=0) * norm[:, None]
    agg = jax.ops.segment_sum(msg, dst, num_segments=n)
    out = agg + b
    # SimpleGCN.forward: relu then dropout; dropout is identity in eval mode
    return jax.nn.relu(out)

if __name__ == "__main__":
    import jax
    _d = setup_inputs()
    print(jax.jit(kernel)(*tuple(_d.values())))

</pallas_src>

<mosaic_0001>
#map = affine_map<(d0, d1) -> (0, 0)>
#map1 = affine_map<(d0, d1) -> (0)>
module attributes {stable_mosaic.version = 14 : i64} {
  func.func @_deg_kernel(%arg0: i32, %arg1: i32, %arg2: memref<2560x128xi32, #tpu.memory_space<hbm>>, %arg3: memref<128xf32, #tpu.memory_space<hbm>>, %arg4: memref<640xf32, #tpu.memory_space<hbm>>, %arg5: memref<10240xf32, #tpu.memory_space<hbm>>, %arg6: memref<10240xf32, #tpu.memory_space<hbm>>, %arg7: memref<80x128xi32, #tpu.memory_space<vmem>>, %arg8: memref<128xf32, #tpu.memory_space<vmem>>, %arg9: memref<10240xf32, #tpu.memory_space<vmem_shared>>) attributes {dimension_semantics = [#tpu.dimension_semantics<core_parallel>, #tpu.dimension_semantics<subcore_parallel>], iteration_bounds = array<i64: 2, 16>, scalar_prefetch = 0 : i64, scratch_operands = 3 : i64, tpu.core_type = #tpu.core_type<sc_vector_subcore>, window_params = [{transform_indices = #map}, {transform_indices = #map1}, {transform_indices = #map1}, {transform_indices = #map1}, {transform_indices = #map1}]} {
    %mul3A = arith.constant 16 : i32
    %mul3A_0 = arith.muli %arg0, %mul3A : i32
    %add3A = arith.addi %mul3A_0, %arg1 : i32
    "tpu.region"() ({
      %run_scoped3A = tpu.sem_alloc : memref<!tpu.dma_semaphore, #tpu.memory_space<semaphore_mem>>
      tpu.enqueue_dma source(%arg3 : memref<128xf32, #tpu.memory_space<hbm>>) target(%arg8 : memref<128xf32, #tpu.memory_space<vmem>>) target_semaphore(%run_scoped3A : memref<!tpu.dma_semaphore, #tpu.memory_space<semaphore_mem>>)
      tpu.wait_dma2 semaphore(%run_scoped3A : memref<!tpu.dma_semaphore, #tpu.memory_space<semaphore_mem>>) src(%arg3 : memref<128xf32, #tpu.memory_space<hbm>>) dst(%arg8 : memref<128xf32, #tpu.memory_space<vmem>>)
      tpu.yield
    }) : () -> ()
    %mul3A_1 = arith.constant 80 : i32
    %mul3A_2 = arith.muli %add3A, %mul3A_1 : i32
    "tpu.region"() ({
      %run_scoped3A = tpu.sem_alloc : memref<!tpu.dma_semaphore, #tpu.memory_space<semaphore_mem>>
      %dma_start3A = arith.constant 0 : i32
      %dma_start3A_18 = tpu.memref_slice %arg2[%mul3A_2, %dma_start3A] : memref<2560x128xi32, #tpu.memory_space<hbm>> -> memref<80x128xi32, #tpu.memory_space<hbm>>
      %dma_start3A_19 = arith.constant 0 : i32
      %dma_start3A_20 = tpu.memref_slice %arg2[%mul3A_2, %dma_start3A_19] : memref<2560x128xi32, #tpu.memory_space<hbm>> -> memref<80x128xi32, #tpu.memory_space<hbm>>
      tpu.enqueue_dma source(%dma_start3A_20 : memref<80x128xi32, #tpu.memory_space<hbm>>) target(%arg7 : memref<80x128xi32, #tpu.memory_space<vmem>>) target_semaphore(%run_scoped3A : memref<!tpu.dma_semaphore, #tpu.memory_space<semaphore_mem>>)
      %dma_wait3A = arith.constant 0 : i32
      %dma_wait3A_21 = tpu.memref_slice %arg2[%mul3A_2, %dma_wait3A] : memref<2560x128xi32, #tpu.memory_space<hbm>> -> memref<80x128xi32, #tpu.memory_space<hbm>>
      %dma_wait3A_22 = arith.constant 0 : i32
      %dma_wait3A_23 = tpu.memref_slice %arg2[%mul3A_2, %dma_wait3A_22] : memref<2560x128xi32, #tpu.memory_space<hbm>> -> memref<80x128xi32, #tpu.memory_space<hbm>>
      tpu.wait_dma2 semaphore(%run_scoped3A : memref<!tpu.dma_semaphore, #tpu.memory_space<semaphore_mem>>) src(%dma_wait3A_23 : memref<80x128xi32, #tpu.memory_space<hbm>>) dst(%arg7 : memref<80x128xi32, #tpu.memory_space<vmem>>)
      tpu.yield
    }) : () -> ()
    %mul3A_3 = arith.constant 640 : i32
    %mul3A_4 = arith.muli %arg1, %mul3A_3 : i32
    "tpu.region"() ({
      %run_scoped3A = tpu.sem_alloc : memref<!tpu.dma_semaphore, #tpu.memory_space<semaphore_mem>>
      %dma_start3A = tpu.memref_slice %arg9[%mul3A_4] : memref<10240xf32, #tpu.memory_space<vmem_shared>> -> memref<640xf32, #tpu.memory_space<vmem_shared>>
      tpu.enqueue_dma source(%arg4 : memref<640xf32, #tpu.memory_space<hbm>>) target(%dma_start3A : memref<640xf32, #tpu.memory_space<vmem_shared>>) target_semaphore(%run_scoped3A : memref<!tpu.dma_semaphore, #tpu.memory_space<semaphore_mem>>)
      %dma_wait3A = tpu.memref_slice %arg9[%mul3A_4] : memref<10240xf32, #tpu.memory_space<vmem_shared>> -> memref<640xf32, #tpu.memory_space<vmem_shared>>
      tpu.wait_dma2 semaphore(%run_scoped3A : memref<!tpu.dma_semaphore, #tpu.memory_space<semaphore_mem>>) src(%arg4 : memref<640xf32, #tpu.memory_space<hbm>>) dst(%dma_wait3A : memref<640xf32, #tpu.memory_space<vmem_shared>>)
      tpu.yield
    }) : () -> ()
    %barrier3A = arith.constant 0 : index
    tpu.barrier barrier_id(%barrier3A)
    %scan3A = arith.constant 0 : i32
    %scan3A_5 = arith.constant 0 : i32
    %scan3A_6 = arith.constant 80 : i32
    %scan3A_7 = arith.addi %scan3A_5, %scan3A_6 : i32
    %scan3A_8 = arith.constant 1 : i32
    scf.for %scan3A_18 = %scan3A_5 to %scan3A_7 step %scan3A_8  : i32 {
      "tpu.region"() ({
        %run_scoped3A = tpu.sem_alloc : memref<!tpu.dma_semaphore, #tpu.memory_space<semaphore_mem>>
        %dma_start3A = arith.constant 0 : i32
        %dma_start3A_19 = tpu.memref_slice %arg7[%scan3A_18, %dma_start3A] : memref<80x128xi32, #tpu.memory_space<vmem>> -> memref<1x128xi32, #tpu.memory_space<vmem>>
        %dma_start3A_20 = tpu.memref_squeeze %dma_start3A_19 : memref<1x128xi32, #tpu.memory_space<vmem>> -> memref<128xi32, #tpu.memory_space<vmem>>
        %dma_start3A_21 = arith.constant 0 : i32
        %dma_start3A_22 = tpu.memref_slice %arg9[%dma_start3A_21] : memref<10240xf32, #tpu.memory_space<vmem_shared>> -> memref<10240xf32, #tpu.memory_space<vmem_shared>>
        tpu.enqueue_indirect_dma source(%arg8 : memref<128xf32, #tpu.memory_space<vmem>>) target(%dma_start3A_22 : memref<10240xf32, #tpu.memory_space<vmem_shared>>) offsets(%dma_start3A_20 : memref<128xi32, #tpu.memory_space<vmem>>) semaphore(%run_scoped3A : memref<!tpu.dma_semaphore, #tpu.memory_space<semaphore_mem>>) {add = true}
        %dma_wait3A = arith.constant 0 : i32
        %dma_wait3A_23 = tpu.memref_slice %arg7[%scan3A_18, %dma_wait3A] : memref<80x128xi32, #tpu.memory_space<vmem>> -> memref<1x128xi32, #tpu.memory_space<vmem>>
        %dma_wait3A_24 = tpu.memref_squeeze %dma_wait3A_23 : memref<1x128xi32, #tpu.memory_space<vmem>> -> memref<128xi32, #tpu.memory_space<vmem>>
        %dma_wait3A_25 = arith.constant 0 : i32
        %dma_wait3A_26 = tpu.memref_slice %arg9[%dma_wait3A_25] : memref<10240xf32, #tpu.memory_space<vmem_shared>> -> memref<10240xf32, #tpu.memory_space<vmem_shared>>
        tpu.wait_indirect_dma semaphore(%run_scoped3A : memref<!tpu.dma_semaphore, #tpu.memory_space<semaphore_mem>>) src(%arg8 : memref<128xf32, #tpu.memory_space<vmem>>) dst(%dma_wait3A_26 : memref<10240xf32, #tpu.memory_space<vmem_shared>>)
        tpu.yield
      }) : () -> ()
    }
    %scan3A_9 = arith.constant 80 : i32
    %barrier3A_10 = arith.constant 0 : index
    tpu.barrier barrier_id(%barrier3A_10)
    %eq3A = arith.constant 0 : i32
    %eq3A_11 = arith.cmpi eq, %arg0, %eq3A : i32
    %convert_element_type3A = arith.extui %eq3A_11 : i1 to i32
    %cond3A = arith.constant 0 : i32
    %cond3A_12 = arith.cmpi ne, %convert_element_type3A, %cond3A : i32
    scf.if %cond3A_12 {
      %mul3A_18 = arith.constant 640 : i32
      %mul3A_19 = arith.muli %arg1, %mul3A_18 : i32
      %mul3A_20 = arith.constant 640 : i32
      %mul3A_21 = arith.muli %arg1, %mul3A_20 : i32
      "tpu.region"() ({
        %run_scoped3A = tpu.sem_alloc : memref<!tpu.dma_semaphore, #tpu.memory_space<semaphore_mem>>
        %dma_start3A = tpu.memref_slice %arg5[%mul3A_21] : memref<10240xf32, #tpu.memory_space<hbm>> -> memref<640xf32, #tpu.memory_space<hbm>>
        %dma_start3A_22 = tpu.memref_slice %arg9[%mul3A_19] : memref<10240xf32, #tpu.memory_space<vmem_shared>> -> memref<640xf32, #tpu.memory_space<vmem_shared>>
        tpu.enqueue_dma source(%dma_start3A_22 : memref<640xf32, #tpu.memory_space<vmem_shared>>) target(%dma_start3A : memref<640xf32, #tpu.memory_space<hbm>>) target_semaphore(%run_scoped3A : memref<!tpu.dma_semaphore, #tpu.memory_space<semaphore_mem>>)
        %dma_wait3A = tpu.memref_slice %arg5[%mul3A_21] : memref<10240xf32, #tpu.memory_space<hbm>> -> memref<640xf32, #tpu.memory_space<hbm>>
        %dma_wait3A_23 = tpu.memref_slice %arg9[%mul3A_19] : memref<10240xf32, #tpu.memory_space<vmem_shared>> -> memref<640xf32, #tpu.memory_space<vmem_shared>>
        tpu.wait_dma2 semaphore(%run_scoped3A : memref<!tpu.dma_semaphore, #tpu.memory_space<semaphore_mem>>) src(%dma_wait3A_23 : memref<640xf32, #tpu.memory_space<vmem_shared>>) dst(%dma_wait3A : memref<640xf32, #tpu.memory_space<hbm>>)
        tpu.yield
      }) : () -> ()
    } else {
    }
    %eq3A_13 = arith.constant 1 : i32
    %eq3A_14 = arith.cmpi eq, %arg0, %eq3A_13 : i32
    %convert_element_type3A_15 = arith.extui %eq3A_14 : i1 to i32
    %cond3A_16 = arith.constant 0 : i32
    %cond3A_17 = arith.cmpi ne, %convert_element_type3A_15, %cond3A_16 : i32
    scf.if %cond3A_17 {
      %mul3A_18 = arith.constant 640 : i32
      %mul3A_19 = arith.muli %arg1, %mul3A_18 : i32
      %mul3A_20 = arith.constant 640 : i32
      %mul3A_21 = arith.muli %arg1, %mul3A_20 : i32
      "tpu.region"() ({
        %run_scoped3A = tpu.sem_alloc : memref<!tpu.dma_semaphore, #tpu.memory_space<semaphore_mem>>
        %dma_start3A = tpu.memref_slice %arg6[%mul3A_21] : memref<10240xf32, #tpu.memory_space<hbm>> -> memref<640xf32, #tpu.memory_space<hbm>>
        %dma_start3A_22 = tpu.memref_slice %arg9[%mul3A_19] : memref<10240xf32, #tpu.memory_space<vmem_shared>> -> memref<640xf32, #tpu.memory_space<vmem_shared>>
        tpu.enqueue_dma source(%dma_start3A_22 : memref<640xf32, #tpu.memory_space<vmem_shared>>) target(%dma_start3A : memref<640xf32, #tpu.memory_space<hbm>>) target_semaphore(%run_scoped3A : memref<!tpu.dma_semaphore, #tpu.memory_space<semaphore_mem>>)
        %dma_wait3A = tpu.memref_slice %arg6[%mul3A_21] : memref<10240xf32, #tpu.memory_space<hbm>> -> memref<640xf32, #tpu.memory_space<hbm>>
        %dma_wait3A_23 = tpu.memref_slice %arg9[%mul3A_19] : memref<10240xf32, #tpu.memory_space<vmem_shared>> -> memref<640xf32, #tpu.memory_space<vmem_shared>>
        tpu.wait_dma2 semaphore(%run_scoped3A : memref<!tpu.dma_semaphore, #tpu.memory_space<semaphore_mem>>) src(%dma_wait3A_23 : memref<640xf32, #tpu.memory_space<vmem_shared>>) dst(%dma_wait3A : memref<640xf32, #tpu.memory_space<hbm>>)
        tpu.yield
      }) : () -> ()
    } else {
    }
    return
  }
}

#map = affine_map<(d0, d1) -> (0, 0)>
module attributes {stable_mosaic.version = 14 : i64} {
  func.func @_agg_kernel(%arg0: i32, %arg1: i32, %arg2: memref<10000x64xf32, #tpu.memory_space<hbm>>, %arg3: memref<2560x128xi32, #tpu.memory_space<hbm>>, %arg4: memref<2560x128xi32, #tpu.memory_space<hbm>>, %arg5: memref<640x64xf32, #tpu.memory_space<hbm>>, %arg6: memref<10240x64xf32, #tpu.memory_space<hbm>>, %arg7: memref<10240x64xf32, #tpu.memory_space<hbm>>, %arg8: memref<80x128xi32, #tpu.memory_space<vmem>>, %arg9: memref<80x128xi32, #tpu.memory_space<vmem>>, %arg10: memref<4x128x64xf32, #tpu.memory_space<vmem>>, %arg11: memref<10240x64xf32, #tpu.memory_space<vmem_shared>>, %arg12: memref<!tpu.dma_semaphore, #tpu.memory_space<semaphore_mem>>, %arg13: memref<!tpu.dma_semaphore, #tpu.memory_space<semaphore_mem>>, %arg14: memref<!tpu.dma_semaphore, #tpu.memory_space<semaphore_mem>>, %arg15: memref<!tpu.dma_semaphore, #tpu.memory_space<semaphore_mem>>) attributes {dimension_semantics = [#tpu.dimension_semantics<core_parallel>, #tpu.dimension_semantics<subcore_parallel>], iteration_bounds = array<i64: 2, 16>, scalar_prefetch = 0 : i64, scratch_operands = 8 : i64, tpu.core_type = #tpu.core_type<sc_vector_subcore>, window_params = [{transform_indices = #map}, {transform_indices = #map}, {transform_indices = #map}, {transform_indices = #map}, {transform_indices = #map}, {transform_indices = #map}]} {
    %mul3A = arith.constant 16 : i32
    %mul3A_0 = arith.muli %arg0, %mul3A : i32
    %add3A = arith.addi %mul3A_0, %arg1 : i32
    %mul3A_1 = arith.constant 80 : i32
    %mul3A_2 = arith.muli %add3A, %mul3A_1 : i32
    "tpu.region"() ({
      %run_scoped3A = tpu.sem_alloc : memref<!tpu.dma_semaphore, #tpu.memory_space<semaphore_mem>>
      %dma_start3A_67 = arith.constant 0 : i32
      %dma_start3A_68 = tpu.memref_slice %arg3[%mul3A_2, %dma_start3A_67] : memref<2560x128xi32, #tpu.memory_space<hbm>> -> memref<80x128xi32, #tpu.memory_space<hbm>>
      %dma_start3A_69 = arith.constant 0 : i32
      %dma_start3A_70 = tpu.memref_slice %arg3[%mul3A_2, %dma_start3A_69] : memref<2560x128xi32, #tpu.memory_space<hbm>> -> memref<80x128xi32, #tpu.memory_space<hbm>>
      tpu.enqueue_dma source(%dma_start3A_70 : memref<80x128xi32, #tpu.memory_space<hbm>>) target(%arg8 : memref<80x128xi32, #tpu.memory_space<vmem>>) target_semaphore(%run_scoped3A : memref<!tpu.dma_semaphore, #tpu.memory_space<semaphore_mem>>)
      %dma_wait3A = arith.constant 0 : i32
      %dma_wait3A_71 = tpu.memref_slice %arg3[%mul3A_2, %dma_wait3A] : memref<2560x128xi32, #tpu.memory_space<hbm>> -> memref<80x128xi32, #tpu.memory_space<hbm>>
      %dma_wait3A_72 = arith.constant 0 : i32
      %dma_wait3A_73 = tpu.memref_slice %arg3[%mul3A_2, %dma_wait3A_72] : memref<2560x128xi32, #tpu.memory_space<hbm>> -> memref<80x128xi32, #tpu.memory_space<hbm>>
      tpu.wait_dma2 semaphore(%run_scoped3A : memref<!tpu.dma_semaphore, #tpu.memory_space<semaphore_mem>>) src(%dma_wait3A_73 : memref<80x128xi32, #tpu.memory_space<hbm>>) dst(%arg8 : memref<80x128xi32, #tpu.memory_space<vmem>>)
      tpu.yield
    }) : () -> ()
    %mul3A_3 = arith.constant 80 : i32
    %mul3A_4 = arith.muli %add3A, %mul3A_3 : i32
    "tpu.region"() ({
      %run_scoped3A = tpu.sem_alloc : memref<!tpu.dma_semaphore, #tpu.memory_space<semaphore_mem>>
      %dma_start3A_67 = arith.constant 0 : i32
      %dma_start3A_68 = tpu.memref_slice %arg4[%mul3A_4, %dma_start3A_67] : memref<2560x128xi32, #tpu.memory_space<hbm>> -> memref<80x128xi32, #tpu.memory_space<hbm>>
      %dma_start3A_69 = arith.constant 0 : i32
      %dma_start3A_70 = tpu.memref_slice %arg4[%mul3A_4, %dma_start3A_69] : memref<2560x128xi32, #tpu.memory_space<hbm>> -> memref<80x128xi32, #tpu.memory_space<hbm>>
      tpu.enqueue_dma source(%dma_start3A_70 : memref<80x128xi32, #tpu.memory_space<hbm>>) target(%arg9 : memref<80x128xi32, #tpu.memory_space<vmem>>) target_semaphore(%run_scoped3A : memref<!tpu.dma_semaphore, #tpu.memory_space<semaphore_mem>>)
      %dma_wait3A = arith.constant 0 : i32
      %dma_wait3A_71 = tpu.memref_slice %arg4[%mul3A_4, %dma_wait3A] : memref<2560x128xi32, #tpu.memory_space<hbm>> -> memref<80x128xi32, #tpu.memory_space<hbm>>
      %dma_wait3A_72 = arith.constant 0 : i32
      %dma_wait3A_73 = tpu.memref_slice %arg4[%mul3A_4, %dma_wait3A_72] : memref<2560x128xi32, #tpu.memory_space<hbm>> -> memref<80x128xi32, #tpu.memory_space<hbm>>
      tpu.wait_dma2 semaphore(%run_scoped3A : memref<!tpu.dma_semaphore, #tpu.memory_space<semaphore_mem>>) src(%dma_wait3A_73 : memref<80x128xi32, #tpu.memory_space<hbm>>) dst(%arg9 : memref<80x128xi32, #tpu.memory_space<vmem>>)
      tpu.yield
    }) : () -> ()
    %mul3A_5 = arith.constant 640 : i32
    %mul3A_6 = arith.muli %arg1, %mul3A_5 : i32
    "tpu.region"() ({
      %run_scoped3A = tpu.sem_alloc : memref<!tpu.dma_semaphore, #tpu.memory_space<semaphore_mem>>
      %dma_start3A_67 = arith.constant 0 : i32
      %dma_start3A_68 = tpu.memref_slice %arg11[%mul3A_6, %dma_start3A_67] : memref<10240x64xf32, #tpu.memory_space<vmem_shared>> -> memref<640x64xf32, #tpu.memory_space<vmem_shared>>
      tpu.enqueue_dma source(%arg5 : memref<640x64xf32, #tpu.memory_space<hbm>>) target(%dma_start3A_68 : memref<640x64xf32, #tpu.memory_space<vmem_shared>>) target_semaphore(%run_scoped3A : memref<!tpu.dma_semaphore, #tpu.memory_space<semaphore_mem>>)
      %dma_wait3A = arith.constant 0 : i32
      %dma_wait3A_69 = tpu.memref_slice %arg11[%mul3A_6, %dma_wait3A] : memref<10240x64xf32, #tpu.memory_space<vmem_shared>> -> memref<640x64xf32, #tpu.memory_space<vmem_shared>>
      tpu.wait_dma2 semaphore(%run_scoped3A : memref<!tpu.dma_semaphore, #tpu.memory_space<semaphore_mem>>) src(%arg5 : memref<640x64xf32, #tpu.memory_space<hbm>>) dst(%dma_wait3A_69 : memref<640x64xf32, #tpu.memory_space<vmem_shared>>)
      tpu.yield
    }) : () -> ()
    %barrier3A = arith.constant 0 : index
    tpu.barrier barrier_id(%barrier3A)
    %dma_start3A = arith.constant 0 : i32
    %dma_start3A_7 = arith.constant 0 : i32
    %dma_start3A_8 = arith.constant 0 : i32
    %dma_start3A_9 = arith.constant 0 : i32
    %dma_start3A_10 = tpu.memref_slice %arg10[%dma_start3A_7, %dma_start3A_8, %dma_start3A_9] : memref<4x128x64xf32, #tpu.memory_space<vmem>> -> memref<1x128x64xf32, #tpu.memory_space<vmem>>
    %dma_start3A_11 = tpu.memref_squeeze %dma_start3A_10 : memref<1x128x64xf32, #tpu.memory_space<vmem>> -> memref<128x64xf32, #tpu.memory_space<vmem>>
    %dma_start3A_12 = arith.constant 0 : i32
    %dma_start3A_13 = tpu.memref_slice %arg8[%dma_start3A, %dma_start3A_12] : memref<80x128xi32, #tpu.memory_space<vmem>> -> memref<1x128xi32, #tpu.memory_space<vmem>>
    %dma_start3A_14 = tpu.memref_squeeze %dma_start3A_13 : memref<1x128xi32, #tpu.memory_space<vmem>> -> memref<128xi32, #tpu.memory_space<vmem>>
    %dma_start3A_15 = arith.constant 0 : i32
    %dma_start3A_16 = arith.constant 0 : i32
    %dma_start3A_17 = tpu.memref_slice %arg2[%dma_start3A_15, %dma_start3A_16] : memref<10000x64xf32, #tpu.memory_space<hbm>> -> memref<10000x64xf32, #tpu.memory_space<hbm>>
    tpu.enqueue_indirect_dma source(%dma_start3A_17 : memref<10000x64xf32, #tpu.memory_space<hbm>>) target(%dma_start3A_11 : memref<128x64xf32, #tpu.memory_space<vmem>>) offsets(%dma_start3A_14 : memref<128xi32, #tpu.memory_space<vmem>>) semaphore(%arg12 : memref<!tpu.dma_semaphore, #tpu.memory_space<semaphore_mem>>)
    %dma_start3A_18 = arith.constant 1 : i32
    %dma_start3A_19 = arith.constant 1 : i32
    %dma_start3A_20 = arith.constant 0 : i32
    %dma_start3A_21 = arith.constant 0 : i32
    %dma_start3A_22 = tpu.memref_slice %arg10[%dma_start3A_19, %dma_start3A_20, %dma_start3A_21] : memref<4x128x64xf32, #tpu.memory_space<vmem>> -> memref<1x128x64xf32, #tpu.memory_space<vmem>>
    %dma_start3A_23 = tpu.memref_squeeze %dma_start3A_22 : memref<1x128x64xf32, #tpu.memory_space<vmem>> -> memref<128x64xf32, #tpu.memory_space<vmem>>
    %dma_start3A_24 = arith.constant 0 : i32
    %dma_start3A_25 = tpu.memref_slice %arg8[%dma_start3A_18, %dma_start3A_24] : memref<80x128xi32, #tpu.memory_space<vmem>> -> memref<1x128xi32, #tpu.memory_space<vmem>>
    %dma_start3A_26 = tpu.memref_squeeze %dma_start3A_25 : memref<1x128xi32, #tpu.memory_space<vmem>> -> memref<128xi32, #tpu.memory_space<vmem>>
    %dma_start3A_27 = arith.constant 0 : i32
    %dma_start3A_28 = arith.constant 0 : i32
    %dma_start3A_29 = tpu.memref_slice %arg2[%dma_start3A_27, %dma_start3A_28] : memref<10000x64xf32, #tpu.memory_space<hbm>> -> memref<10000x64xf32, #tpu.memory_space<hbm>>
    tpu.enqueue_indirect_dma source(%dma_start3A_29 : memref<10000x64xf32, #tpu.memory_space<hbm>>) target(%dma_start3A_23 : memref<128x64xf32, #tpu.memory_space<vmem>>) offsets(%dma_start3A_26 : memref<128xi32, #tpu.memory_space<vmem>>) semaphore(%arg13 : memref<!tpu.dma_semaphore, #tpu.memory_space<semaphore_mem>>)
    %dma_start3A_30 = arith.constant 2 : i32
    %dma_start3A_31 = arith.constant 2 : i32
    %dma_start3A_32 = arith.constant 0 : i32
    %dma_start3A_33 = arith.constant 0 : i32
    %dma_start3A_34 = tpu.memref_slice %arg10[%dma_start3A_31, %dma_start3A_32, %dma_start3A_33] : memref<4x128x64xf32, #tpu.memory_space<vmem>> -> memref<1x128x64xf32, #tpu.memory_space<vmem>>
    %dma_start3A_35 = tpu.memref_squeeze %dma_start3A_34 : memref<1x128x64xf32, #tpu.memory_space<vmem>> -> memref<128x64xf32, #tpu.memory_space<vmem>>
    %dma_start3A_36 = arith.constant 0 : i32
    %dma_start3A_37 = tpu.memref_slice %arg8[%dma_start3A_30, %dma_start3A_36] : memref<80x128xi32, #tpu.memory_space<vmem>> -> memref<1x128xi32, #tpu.memory_space<vmem>>
    %dma_start3A_38 = tpu.memref_squeeze %dma_start3A_37 : memref<1x128xi32, #tpu.memory_space<vmem>> -> memref<128xi32, #tpu.memory_space<vmem>>
    %dma_start3A_39 = arith.constant 0 : i32
    %dma_start3A_40 = arith.constant 0 : i32
    %dma_start3A_41 = tpu.memref_slice %arg2[%dma_start3A_39, %dma_start3A_40] : memref<10000x64xf32, #tpu.memory_space<hbm>> -> memref<10000x64xf32, #tpu.memory_space<hbm>>
    tpu.enqueue_indirect_dma source(%dma_start3A_41 : memref<10000x64xf32, #tpu.memory_space<hbm>>) target(%dma_start3A_35 : memref<128x64xf32, #tpu.memory_space<vmem>>) offsets(%dma_start3A_38 : memref<128xi32, #tpu.memory_space<vmem>>) semaphore(%arg14 : memref<!tpu.dma_semaphore, #tpu.memory_space<semaphore_mem>>)
    %dma_start3A_42 = arith.constant 3 : i32
    %dma_start3A_43 = arith.constant 3 : i32
    %dma_start3A_44 = arith.constant 0 : i32
    %dma_start3A_45 = arith.constant 0 : i32
    %dma_start3A_46 = tpu.memref_slice %arg10[%dma_start3A_43, %dma_start3A_44, %dma_start3A_45] : memref<4x128x64xf32, #tpu.memory_space<vmem>> -> memref<1x128x64xf32, #tpu.memory_space<vmem>>
    %dma_start3A_47 = tpu.memref_squeeze %dma_start3A_46 : memref<1x128x64xf32, #tpu.memory_space<vmem>> -> memref<128x64xf32, #tpu.memory_space<vmem>>
    %dma_start3A_48 = arith.constant 0 : i32
    %dma_start3A_49 = tpu.memref_slice %arg8[%dma_start3A_42, %dma_start3A_48] : memref<80x128xi32, #tpu.memory_space<vmem>> -> memref<1x128xi32, #tpu.memory_space<vmem>>
    %dma_start3A_50 = tpu.memref_squeeze %dma_start3A_49 : memref<1x128xi32, #tpu.memory_space<vmem>> -> memref<128xi32, #tpu.memory_space<vmem>>
    %dma_start3A_51 = arith.constant 0 : i32
    %dma_start3A_52 = arith.constant 0 : i32
    %dma_start3A_53 = tpu.memref_slice %arg2[%dma_start3A_51, %dma_start3A_52] : memref<10000x64xf32, #tpu.memory_space<hbm>> -> memref<10000x64xf32, #tpu.memory_space<hbm>>
    tpu.enqueue_indirect_dma source(%dma_start3A_53 : memref<10000x64xf32, #tpu.memory_space<hbm>>) target(%dma_start3A_47 : memref<128x64xf32, #tpu.memory_space<vmem>>) offsets(%dma_start3A_50 : memref<128xi32, #tpu.memory_space<vmem>>) semaphore(%arg15 : memref<!tpu.dma_semaphore, #tpu.memory_space<semaphore_mem>>)
    %scan3A = arith.constant 0 : i32
    %scan3A_54 = arith.constant 0 : i32
    %scan3A_55 = arith.constant 20 : i32
    %scan3A_56 = arith.addi %scan3A_54, %scan3A_55 : i32
    %scan3A_57 = arith.constant 1 : i32
    scf.for %scan3A_67 = %scan3A_54 to %scan3A_56 step %scan3A_57  : i32 {
      %mul3A_68 = arith.constant 4 : i32
      %mul3A_69 = arith.muli %mul3A_68, %scan3A_67 : i32
      %add3A_70 = arith.constant 0 : i32
      %add3A_71 = arith.addi %mul3A_69, %add3A_70 : i32
      %dma_wait3A = arith.constant 0 : i32
      %dma_wait3A_72 = arith.constant 0 : i32
      %dma_wait3A_73 = arith.constant 0 : i32
      %dma_wait3A_74 = tpu.memref_slice %arg10[%dma_wait3A, %dma_wait3A_72, %dma_wait3A_73] : memref<4x128x64xf32, #tpu.memory_space<vmem>> -> memref<1x128x64xf32, #tpu.memory_space<vmem>>
      %dma_wait3A_75 = tpu.memref_squeeze %dma_wait3A_74 : memref<1x128x64xf32, #tpu.memory_space<vmem>> -> memref<128x64xf32, #tpu.memory_space<vmem>>
      %dma_wait3A_76 = arith.constant 0 : i32
      %dma_wait3A_77 = tpu.memref_slice %arg8[%add3A_71, %dma_wait3A_76] : memref<80x128xi32, #tpu.memory_space<vmem>> -> memref<1x128xi32, #tpu.memory_space<vmem>>
      %dma_wait3A_78 = tpu.memref_squeeze %dma_wait3A_77 : memref<1x128xi32, #tpu.memory_space<vmem>> -> memref<128xi32, #tpu.memory_space<vmem>>
      %dma_wait3A_79 = arith.constant 0 : i32
      %dma_wait3A_80 = arith.constant 0 : i32
      %dma_wait3A_81 = tpu.memref_slice %arg2[%dma_wait3A_79, %dma_wait3A_80] : memref<10000x64xf32, #tpu.memory_space<hbm>> -> memref<10000x64xf32, #tpu.memory_space<hbm>>
      tpu.wait_indirect_dma semaphore(%arg12 : memref<!tpu.dma_semaphore, #tpu.memory_space<semaphore_mem>>) src(%dma_wait3A_81 : memref<10000x64xf32, #tpu.memory_space<hbm>>) dst(%dma_wait3A_75 : memref<128x64xf32, #tpu.memory_space<vmem>>)
      %run_scoped3A = arith.constant 0 : i32
      "tpu.region"() ({
        %run_scoped3A_157 = tpu.sem_alloc : memref<!tpu.dma_semaphore, #tpu.memory_space<semaphore_mem>>
        %dma_start3A_158 = arith.constant 0 : i32
        %dma_start3A_159 = arith.constant 0 : i32
        %dma_start3A_160 = tpu.memref_slice %arg10[%run_scoped3A, %dma_start3A_158, %dma_start3A_159] : memref<4x128x64xf32, #tpu.memory_space<vmem>> -> memref<1x128x64xf32, #tpu.memory_space<vmem>>
        %dma_start3A_161 = tpu.memref_squeeze %dma_start3A_160 : memref<1x128x64xf32, #tpu.memory_space<vmem>> -> memref<128x64xf32, #tpu.memory_space<vmem>>
        %dma_start3A_162 = arith.constant 0 : i32
        %dma_start3A_163 = tpu.memref_slice %arg9[%add3A_71, %dma_start3A_162] : memref<80x128xi32, #tpu.memory_space<vmem>> -> memref<1x128xi32, #tpu.memory_space<vmem>>
        %dma_start3A_164 = tpu.memref_squeeze %dma_start3A_163 : memref<1x128xi32, #tpu.memory_space<vmem>> -> memref<128xi32, #tpu.memory_space<vmem>>
        %dma_start3A_165 = arith.constant 0 : i32
        %dma_start3A_166 = arith.constant 0 : i32
        %dma_start3A_167 = tpu.memref_slice %arg11[%dma_start3A_165, %dma_start3A_166] : memref<10240x64xf32, #tpu.memory_space<vmem_shared>> -> memref<10240x64xf32, #tpu.memory_space<vmem_shared>>
        tpu.enqueue_indirect_dma source(%dma_start3A_161 : memref<128x64xf32, #tpu.memory_space<vmem>>) target(%dma_start3A_167 : memref<10240x64xf32, #tpu.memory_space<vmem_shared>>) offsets(%dma_start3A_164 : memref<128xi32, #tpu.memory_space<vmem>>) semaphore(%run_scoped3A_157 : memref<!tpu.dma_semaphore, #tpu.memory_space<semaphore_mem>>) {add = true}
        %dma_wait3A_168 = arith.constant 0 : i32
        %dma_wait3A_169 = arith.constant 0 : i32
        %dma_wait3A_170 = tpu.memref_slice %arg10[%run_scoped3A, %dma_wait3A_168, %dma_wait3A_169] : memref<4x128x64xf32, #tpu.memory_space<vmem>> -> memref<1x128x64xf32, #tpu.memory_space<vmem>>
        %dma_wait3A_171 = tpu.memref_squeeze %dma_wait3A_170 : memref<1x128x64xf32, #tpu.memory_space<vmem>> -> memref<128x64xf32, #tpu.memory_space<vmem>>
        %dma_wait3A_172 = arith.constant 0 : i32
        %dma_wait3A_173 = tpu.memref_slice %arg9[%add3A_71, %dma_wait3A_172] : memref<80x128xi32, #tpu.memory_space<vmem>> -> memref<1x128xi32, #tpu.memory_space<vmem>>
        %dma_wait3A_174 = tpu.memref_squeeze %dma_wait3A_173 : memref<1x128xi32, #tpu.memory_space<vmem>> -> memref<128xi32, #tpu.memory_space<vmem>>
        %dma_wait3A_175 = arith.constant 0 : i32
        %dma_wait3A_176 = arith.constant 0 : i32
        %dma_wait3A_177 = tpu.memref_slice %arg11[%dma_wait3A_175, %dma_wait3A_176] : memref<10240x64xf32, #tpu.memory_space<vmem_shared>> -> memref<10240x64xf32, #tpu.memory_space<vmem_shared>>
        tpu.wait_indirect_dma semaphore(%run_scoped3A_157 : memref<!tpu.dma_semaphore, #tpu.memory_space<semaphore_mem>>) src(%dma_wait3A_171 : memref<128x64xf32, #tpu.memory_space<vmem>>) dst(%dma_wait3A_177 : memref<10240x64xf32, #tpu.memory_space<vmem_shared>>)
        tpu.yield
      }) : () -> ()
      %add3A_82 = arith.constant 4 : i32
      %add3A_83 = arith.addi %add3A_71, %add3A_82 : i32
      %lt3A = arith.constant 80 : i32
      %lt3A_84 = arith.cmpi slt, %add3A_83, %lt3A : i32
      %convert_element_type3A_85 = arith.extui %lt3A_84 : i1 to i32
      %cond3A_86 = arith.constant 0 : i32
      %cond3A_87 = arith.cmpi ne, %convert_element_type3A_85, %cond3A_86 : i32
      scf.if %cond3A_87 {
        %add3A_157 = arith.constant 4 : i32
        %add3A_158 = arith.addi %add3A_71, %add3A_157 : i32
        %dma_start3A_159 = arith.constant 0 : i32
        %dma_start3A_160 = arith.constant 0 : i32
        %dma_start3A_161 = arith.constant 0 : i32
        %dma_start3A_162 = tpu.memref_slice %arg10[%dma_start3A_159, %dma_start3A_160, %dma_start3A_161] : memref<4x128x64xf32, #tpu.memory_space<vmem>> -> memref<1x128x64xf32, #tpu.memory_space<vmem>>
        %dma_start3A_163 = tpu.memref_squeeze %dma_start3A_162 : memref<1x128x64xf32, #tpu.memory_space<vmem>> -> memref<128x64xf32, #tpu.memory_space<vmem>>
        %dma_start3A_164 = arith.constant 0 : i32
        %dma_start3A_165 = tpu.memref_slice %arg8[%add3A_158, %dma_start3A_164] : memref<80x128xi32, #tpu.memory_space<vmem>> -> memref<1x128xi32, #tpu.memory_space<vmem>>
        %dma_start3A_166 = tpu.memref_squeeze %dma_start3A_165 : memref<1x128xi32, #tpu.memory_space<vmem>> -> memref<128xi32, #tpu.memory_space<vmem>>
        %dma_start3A_167 = arith.constant 0 : i32
        %dma_start3A_168 = arith.constant 0 : i32
        %dma_start3A_169 = tpu.memref_slice %arg2[%dma_start3A_167, %dma_start3A_168] : memref<10000x64xf32, #tpu.memory_space<hbm>> -> memref<10000x64xf32, #tpu.memory_space<hbm>>
        tpu.enqueue_indirect_dma source(%dma_start3A_169 : memref<10000x64xf32, #tpu.memory_space<hbm>>) target(%dma_start3A_163 : memref<128x64xf32, #tpu.memory_space<vmem>>) offsets(%dma_start3A_166 : memref<128xi32, #tpu.memory_space<vmem>>) semaphore(%arg12 : memref<!tpu.dma_semaphore, #tpu.memory_space<semaphore_mem>>)
      } else {
      }
      %mul3A_88 = arith.constant 4 : i32
      %mul3A_89 = arith.muli %mul3A_88, %scan3A_67 : i32
      %add3A_90 = arith.constant 1 : i32
      %add3A_91 = arith.addi %mul3A_89, %add3A_90 : i32
      %dma_wait3A_92 = arith.constant 1 : i32
      %dma_wait3A_93 = arith.constant 0 : i32
      %dma_wait3A_94 = arith.constant 0 : i32
      %dma_wait3A_95 = tpu.memref_slice %arg10[%dma_wait3A_92, %dma_wait3A_93, %dma_wait3A_94] : memref<4x128x64xf32, #tpu.memory_space<vmem>> -> memref<1x128x64xf32, #tpu.memory_space<vmem>>
      %dma_wait3A_96 = tpu.memref_squeeze %dma_wait3A_95 : memref<1x128x64xf32, #tpu.memory_space<vmem>> -> memref<128x64xf32, #tpu.memory_space<vmem>>
      %dma_wait3A_97 = arith.constant 0 : i32
      %dma_wait3A_98 = tpu.memref_slice %arg8[%add3A_91, %dma_wait3A_97] : memref<80x128xi32, #tpu.memory_space<vmem>> -> memref<1x128xi32, #tpu.memory_space<vmem>>
      %dma_wait3A_99 = tpu.memref_squeeze %dma_wait3A_98 : memref<1x128xi32, #tpu.memory_space<vmem>> -> memref<128xi32, #tpu.memory_space<vmem>>
      %dma_wait3A_100 = arith.constant 0 : i32
      %dma_wait3A_101 = arith.constant 0 : i32
      %dma_wait3A_102 = tpu.memref_slice %arg2[%dma_wait3A_100, %dma_wait3A_101] : memref<10000x64xf32, #tpu.memory_space<hbm>> -> memref<10000x64xf32, #tpu.memory_space<hbm>>
      tpu.wait_indirect_dma semaphore(%arg13 : memref<!tpu.dma_semaphore, #tpu.memory_space<semaphore_mem>>) src(%dma_wait3A_102 : memref<10000x64xf32, #tpu.memory_space<hbm>>) dst(%dma_wait3A_96 : memref<128x64xf32, #tpu.memory_space<vmem>>)
      %run_scoped3A_103 = arith.constant 1 : i32
      "tpu.region"() ({
        %run_scoped3A_157 = tpu.sem_alloc : memref<!tpu.dma_semaphore, #tpu.memory_space<semaphore_mem>>
        %dma_start3A_158 = arith.constant 0 : i32
        %dma_start3A_159 = arith.constant 0 : i32
        %dma_start3A_160 = tpu.memref_slice %arg10[%run_scoped3A_103, %dma_start3A_158, %dma_start3A_159] : memref<4x128x64xf32, #tpu.memory_space<vmem>> -> memref<1x128x64xf32, #tpu.memory_space<vmem>>
        %dma_start3A_161 = tpu.memref_squeeze %dma_start3A_160 : memref<1x128x64xf32, #tpu.memory_space<vmem>> -> memref<128x64xf32, #tpu.memory_space<vmem>>
        %dma_start3A_162 = arith.constant 0 : i32
        %dma_start3A_163 = tpu.memref_slice %arg9[%add3A_91, %dma_start3A_162] : memref<80x128xi32, #tpu.memory_space<vmem>> -> memref<1x128xi32, #tpu.memory_space<vmem>>
        %dma_start3A_164 = tpu.memref_squeeze %dma_start3A_163 : memref<1x128xi32, #tpu.memory_space<vmem>> -> memref<128xi32, #tpu.memory_space<vmem>>
        %dma_start3A_165 = arith.constant 0 : i32
        %dma_start3A_166 = arith.constant 0 : i32
        %dma_start3A_167 = tpu.memref_slice %arg11[%dma_start3A_165, %dma_start3A_166] : memref<10240x64xf32, #tpu.memory_space<vmem_shared>> -> memref<10240x64xf32, #tpu.memory_space<vmem_shared>>
        tpu.enqueue_indirect_dma source(%dma_start3A_161 : memref<128x64xf32, #tpu.memory_space<vmem>>) target(%dma_start3A_167 : memref<10240x64xf32, #tpu.memory_space<vmem_shared>>) offsets(%dma_start3A_164 : memref<128xi32, #tpu.memory_space<vmem>>) semaphore(%run_scoped3A_157 : memref<!tpu.dma_semaphore, #tpu.memory_space<semaphore_mem>>) {add = true}
        %dma_wait3A_168 = arith.constant 0 : i32
        %dma_wait3A_169 = arith.constant 0 : i32
        %dma_wait3A_170 = tpu.memref_slice %arg10[%run_scoped3A_103, %dma_wait3A_168, %dma_wait3A_169] : memref<4x128x64xf32, #tpu.memory_space<vmem>> -> memref<1x128x64xf32, #tpu.memory_space<vmem>>
        %dma_wait3A_171 = tpu.memref_squeeze %dma_wait3A_170 : memref<1x128x64xf32, #tpu.memory_space<vmem>> -> memref<128x64xf32, #tpu.memory_space<vmem>>
        %dma_wait3A_172 = arith.constant 0 : i32
        %dma_wait3A_173 = tpu.memref_slice %arg9[%add3A_91, %dma_wait3A_172] : memref<80x128xi32, #tpu.memory_space<vmem>> -> memref<1x128xi32, #tpu.memory_space<vmem>>
        %dma_wait3A_174 = tpu.memref_squeeze %dma_wait3A_173 : memref<1x128xi32, #tpu.memory_space<vmem>> -> memref<128xi32, #tpu.memory_space<vmem>>
        %dma_wait3A_175 = arith.constant 0 : i32
        %dma_wait3A_176 = arith.constant 0 : i32
        %dma_wait3A_177 = tpu.memref_slice %arg11[%dma_wait3A_175, %dma_wait3A_176] : memref<10240x64xf32, #tpu.memory_space<vmem_shared>> -> memref<10240x64xf32, #tpu.memory_space<vmem_shared>>
        tpu.wait_indirect_dma semaphore(%run_scoped3A_157 : memref<!tpu.dma_semaphore, #tpu.memory_space<semaphore_mem>>) src(%dma_wait3A_171 : memref<128x64xf32, #tpu.memory_space<vmem>>) dst(%dma_wait3A_177 : memref<10240x64xf32, #tpu.memory_space<vmem_shared>>)
        tpu.yield
      }) : () -> ()
      %add3A_104 = arith.constant 4 : i32
      %add3A_105 = arith.addi %add3A_91, %add3A_104 : i32
      %lt3A_106 = arith.constant 80 : i32
      %lt3A_107 = arith.cmpi slt, %add3A_105, %lt3A_106 : i32
      %convert_element_type3A_108 = arith.extui %lt3A_107 : i1 to i32
      %cond3A_109 = arith.constant 0 : i32
      %cond3A_110 = arith.cmpi ne, %convert_element_type3A_108, %cond3A_109 : i32
      scf.if %cond3A_110 {
        %add3A_157 = arith.constant 4 : i32
        %add3A_158 = arith.addi %add3A_91, %add3A_157 : i32
        %dma_start3A_159 = arith.constant 1 : i32
        %dma_start3A_160 = arith.constant 0 : i32
        %dma_start3A_161 = arith.constant 0 : i32
        %dma_start3A_162 = tpu.memref_slice %arg10[%dma_start3A_159, %dma_start3A_160, %dma_start3A_161] : memref<4x128x64xf32, #tpu.memory_space<vmem>> -> memref<1x128x64xf32, #tpu.memory_space<vmem>>
        %dma_start3A_163 = tpu.memref_squeeze %dma_start3A_162 : memref<1x128x64xf32, #tpu.memory_space<vmem>> -> memref<128x64xf32, #tpu.memory_space<vmem>>
        %dma_start3A_164 = arith.constant 0 : i32
        %dma_start3A_165 = tpu.memref_slice %arg8[%add3A_158, %dma_start3A_164] : memref<80x128xi32, #tpu.memory_space<vmem>> -> memref<1x128xi32, #tpu.memory_space<vmem>>
        %dma_start3A_166 = tpu.memref_squeeze %dma_start3A_165 : memref<1x128xi32, #tpu.memory_space<vmem>> -> memref<128xi32, #tpu.memory_space<vmem>>
        %dma_start3A_167 = arith.constant 0 : i32
        %dma_start3A_168 = arith.constant 0 : i32
        %dma_start3A_169 = tpu.memref_slice %arg2[%dma_start3A_167, %dma_start3A_168] : memref<10000x64xf32, #tpu.memory_space<hbm>> -> memref<10000x64xf32, #tpu.memory_space<hbm>>
        tpu.enqueue_indirect_dma source(%dma_start3A_169 : memref<10000x64xf32, #tpu.memory_space<hbm>>) target(%dma_start3A_163 : memref<128x64xf32, #tpu.memory_space<vmem>>) offsets(%dma_start3A_166 : memref<128xi32, #tpu.memory_space<vmem>>) semaphore(%arg13 : memref<!tpu.dma_semaphore, #tpu.memory_space<semaphore_mem>>)
      } else {
      }
      %mul3A_111 = arith.constant 4 : i32
      %mul3A_112 = arith.muli %mul3A_111, %scan3A_67 : i32
      %add3A_113 = arith.constant 2 : i32
      %add3A_114 = arith.addi %mul3A_112, %add3A_113 : i32
      %dma_wait3A_115 = arith.constant 2 : i32
      %dma_wait3A_116 = arith.constant 0 : i32
      %dma_wait3A_117 = arith.constant 0 : i32
      %dma_wait3A_118 = tpu.memref_slice %arg10[%dma_wait3A_115, %dma_wait3A_116, %dma_wait3A_117] : memref<4x128x64xf32, #tpu.memory_space<vmem>> -> memref<1x128x64xf32, #tpu.memory_space<vmem>>
      %dma_wait3A_119 = tpu.memref_squeeze %dma_wait3A_118 : memref<1x128x64xf32, #tpu.memory_space<vmem>> -> memref<128x64xf32, #tpu.memory_space<vmem>>
      %dma_wait3A_120 = arith.constant 0 : i32
      %dma_wait3A_121 = tpu.memref_slice %arg8[%add3A_114, %dma_wait3A_120] : memref<80x128xi32, #tpu.memory_space<vmem>> -> memref<1x128xi32, #tpu.memory_space<vmem>>
      %dma_wait3A_122 = tpu.memref_squeeze %dma_wait3A_121 : memref<1x128xi32, #tpu.memory_space<vmem>> -> memref<128xi32, #tpu.memory_space<vmem>>
      %dma_wait3A_123 = arith.constant 0 : i32
      %dma_wait3A_124 = arith.constant 0 : i32
      %dma_wait3A_125 = tpu.memref_slice %arg2[%dma_wait3A_123, %dma_wait3A_124] : memref<10000x64xf32, #tpu.memory_space<hbm>> -> memref<10000x64xf32, #tpu.memory_space<hbm>>
      tpu.wait_indirect_dma semaphore(%arg14 : memref<!tpu.dma_semaphore, #tpu.memory_space<semaphore_mem>>) src(%dma_wait3A_125 : memref<10000x64xf32, #tpu.memory_space<hbm>>) dst(%dma_wait3A_119 : memref<128x64xf32, #tpu.memory_space<vmem>>)
      %run_scoped3A_126 = arith.constant 2 : i32
      "tpu.region"() ({
        %run_scoped3A_157 = tpu.sem_alloc : memref<!tpu.dma_semaphore, #tpu.memory_space<semaphore_mem>>
        %dma_start3A_158 = arith.constant 0 : i32
        %dma_start3A_159 = arith.constant 0 : i32
        %dma_start3A_160 = tpu.memref_slice %arg10[%run_scoped3A_126, %dma_start3A_158, %dma_start3A_159] : memref<4x128x64xf32, #tpu.memory_space<vmem>> -> memref<1x128x64xf32, #tpu.memory_space<vmem>>
        %dma_start3A_161 = tpu.memref_squeeze %dma_start3A_160 : memref<1x128x64xf32, #tpu.memory_space<vmem>> -> memref<128x64xf32, #tpu.memory_space<vmem>>
        %dma_start3A_162 = arith.constant 0 : i32
        %dma_start3A_163 = tpu.memref_slice %arg9[%add3A_114, %dma_start3A_162] : memref<80x128xi32, #tpu.memory_space<vmem>> -> memref<1x128xi32, #tpu.memory_space<vmem>>
        %dma_start3A_164 = tpu.memref_squeeze %dma_start3A_163 : memref<1x128xi32, #tpu.memory_space<vmem>> -> memref<128xi32, #tpu.memory_space<vmem>>
        %dma_start3A_165 = arith.constant 0 : i32
        %dma_start3A_166 = arith.constant 0 : i32
        %dma_start3A_167 = tpu.memref_slice %arg11[%dma_start3A_165, %dma_start3A_166] : memref<10240x64xf32, #tpu.memory_space<vmem_shared>> -> memref<10240x64xf32, #tpu.memory_space<vmem_shared>>
        tpu.enqueue_indirect_dma source(%dma_start3A_161 : memref<128x64xf32, #tpu.memory_space<vmem>>) target(%dma_start3A_167 : memref<10240x64xf32, #tpu.memory_space<vmem_shared>>) offsets(%dma_start3A_164 : memref<128xi32, #tpu.memory_space<vmem>>) semaphore(%run_scoped3A_157 : memref<!tpu.dma_semaphore, #tpu.memory_space<semaphore_mem>>) {add = true}
        %dma_wait3A_168 = arith.constant 0 : i32
        %dma_wait3A_169 = arith.constant 0 : i32
        %dma_wait3A_170 = tpu.memref_slice %arg10[%run_scoped3A_126, %dma_wait3A_168, %dma_wait3A_169] : memref<4x128x64xf32, #tpu.memory_space<vmem>> -> memref<1x128x64xf32, #tpu.memory_space<vmem>>
        %dma_wait3A_171 = tpu.memref_squeeze %dma_wait3A_170 : memref<1x128x64xf32, #tpu.memory_space<vmem>> -> memref<128x64xf32, #tpu.memory_space<vmem>>
        %dma_wait3A_172 = arith.constant 0 : i32
        %dma_wait3A_173 = tpu.memref_slice %arg9[%add3A_114, %dma_wait3A_172] : memref<80x128xi32, #tpu.memory_space<vmem>> -> memref<1x128xi32, #tpu.memory_space<vmem>>
        %dma_wait3A_174 = tpu.memref_squeeze %dma_wait3A_173 : memref<1x128xi32, #tpu.memory_space<vmem>> -> memref<128xi32, #tpu.memory_space<vmem>>
        %dma_wait3A_175 = arith.constant 0 : i32
        %dma_wait3A_176 = arith.constant 0 : i32
        %dma_wait3A_177 = tpu.memref_slice %arg11[%dma_wait3A_175, %dma_wait3A_176] : memref<10240x64xf32, #tpu.memory_space<vmem_shared>> -> memref<10240x64xf32, #tpu.memory_space<vmem_shared>>
        tpu.wait_indirect_dma semaphore(%run_scoped3A_157 : memref<!tpu.dma_semaphore, #tpu.memory_space<semaphore_mem>>) src(%dma_wait3A_171 : memref<128x64xf32, #tpu.memory_space<vmem>>) dst(%dma_wait3A_177 : memref<10240x64xf32, #tpu.memory_space<vmem_shared>>)
        tpu.yield
      }) : () -> ()
      %add3A_127 = arith.constant 4 : i32
      %add3A_128 = arith.addi %add3A_114, %add3A_127 : i32
      %lt3A_129 = arith.constant 80 : i32
      %lt3A_130 = arith.cmpi slt, %add3A_128, %lt3A_129 : i32
      %convert_element_type3A_131 = arith.extui %lt3A_130 : i1 to i32
      %cond3A_132 = arith.constant 0 : i32
      %cond3A_133 = arith.cmpi ne, %convert_element_type3A_131, %cond3A_132 : i32
      scf.if %cond3A_133 {
        %add3A_157 = arith.constant 4 : i32
        %add3A_158 = arith.addi %add3A_114, %add3A_157 : i32
        %dma_start3A_159 = arith.constant 2 : i32
        %dma_start3A_160 = arith.constant 0 : i32
        %dma_start3A_161 = arith.constant 0 : i32
        %dma_start3A_162 = tpu.memref_slice %arg10[%dma_start3A_159, %dma_start3A_160, %dma_start3A_161] : memref<4x128x64xf32, #tpu.memory_space<vmem>> -> memref<1x128x64xf32, #tpu.memory_space<vmem>>
        %dma_start3A_163 = tpu.memref_squeeze %dma_start3A_162 : memref<1x128x64xf32, #tpu.memory_space<vmem>> -> memref<128x64xf32, #tpu.memory_space<vmem>>
        %dma_start3A_164 = arith.constant 0 : i32
        %dma_start3A_165 = tpu.memref_slice %arg8[%add3A_158, %dma_start3A_164] : memref<80x128xi32, #tpu.memory_space<vmem>> -> memref<1x128xi32, #tpu.memory_space<vmem>>
        %dma_start3A_166 = tpu.memref_squeeze %dma_start3A_165 : memref<1x128xi32, #tpu.memory_space<vmem>> -> memref<128xi32, #tpu.memory_space<vmem>>
        %dma_start3A_167 = arith.constant 0 : i32
        %dma_start3A_168 = arith.constant 0 : i32
        %dma_start3A_169 = tpu.memref_slice %arg2[%dma_start3A_167, %dma_start3A_168] : memref<10000x64xf32, #tpu.memory_space<hbm>> -> memref<10000x64xf32, #tpu.memory_space<hbm>>
        tpu.enqueue_indirect_dma source(%dma_start3A_169 : memref<10000x64xf32, #tpu.memory_space<hbm>>) target(%dma_start3A_163 : memref<128x64xf32, #tpu.memory_space<vmem>>) offsets(%dma_start3A_166 : memref<128xi32, #tpu.memory_space<vmem>>) semaphore(%arg14 : memref<!tpu.dma_semaphore, #tpu.memory_space<semaphore_mem>>)
      } else {
      }
      %mul3A_134 = arith.constant 4 : i32
      %mul3A_135 = arith.muli %mul3A_134, %scan3A_67 : i32
      %add3A_136 = arith.constant 3 : i32
      %add3A_137 = arith.addi %mul3A_135, %add3A_136 : i32
      %dma_wait3A_138 = arith.constant 3 : i32
      %dma_wait3A_139 = arith.constant 0 : i32
      %dma_wait3A_140 = arith.constant 0 : i32
      %dma_wait3A_141 = tpu.memref_slice %arg10[%dma_wait3A_138, %dma_wait3A_139, %dma_wait3A_140] : memref<4x128x64xf32, #tpu.memory_space<vmem>> -> memref<1x128x64xf32, #tpu.memory_space<vmem>>
      %dma_wait3A_142 = tpu.memref_squeeze %dma_wait3A_141 : memref<1x128x64xf32, #tpu.memory_space<vmem>> -> memref<128x64xf32, #tpu.memory_space<vmem>>
      %dma_wait3A_143 = arith.constant 0 : i32
      %dma_wait3A_144 = tpu.memref_slice %arg8[%add3A_137, %dma_wait3A_143] : memref<80x128xi32, #tpu.memory_space<vmem>> -> memref<1x128xi32, #tpu.memory_space<vmem>>
      %dma_wait3A_145 = tpu.memref_squeeze %dma_wait3A_144 : memref<1x128xi32, #tpu.memory_space<vmem>> -> memref<128xi32, #tpu.memory_space<vmem>>
      %dma_wait3A_146 = arith.constant 0 : i32
      %dma_wait3A_147 = arith.constant 0 : i32
      %dma_wait3A_148 = tpu.memref_slice %arg2[%dma_wait3A_146, %dma_wait3A_147] : memref<10000x64xf32, #tpu.memory_space<hbm>> -> memref<10000x64xf32, #tpu.memory_space<hbm>>
      tpu.wait_indirect_dma semaphore(%arg15 : memref<!tpu.dma_semaphore, #tpu.memory_space<semaphore_mem>>) src(%dma_wait3A_148 : memref<10000x64xf32, #tpu.memory_space<hbm>>) dst(%dma_wait3A_142 : memref<128x64xf32, #tpu.memory_space<vmem>>)
      %run_scoped3A_149 = arith.constant 3 : i32
      "tpu.region"() ({
        %run_scoped3A_157 = tpu.sem_alloc : memref<!tpu.dma_semaphore, #tpu.memory_space<semaphore_mem>>
        %dma_start3A_158 = arith.constant 0 : i32
        %dma_start3A_159 = arith.constant 0 : i32
        %dma_start3A_160 = tpu.memref_slice %arg10[%run_scoped3A_149, %dma_start3A_158, %dma_start3A_159] : memref<4x128x64xf32, #tpu.memory_space<vmem>> -> memref<1x128x64xf32, #tpu.memory_space<vmem>>
        %dma_start3A_161 = tpu.memref_squeeze %dma_start3A_160 : memref<1x128x64xf32, #tpu.memory_space<vmem>> -> memref<128x64xf32, #tpu.memory_space<vmem>>
        %dma_start3A_162 = arith.constant 0 : i32
        %dma_start3A_163 = tpu.memref_slice %arg9[%add3A_137, %dma_start3A_162] : memref<80x128xi32, #tpu.memory_space<vmem>> -> memref<1x128xi32, #tpu.memory_space<vmem>>
        %dma_start3A_164 = tpu.memref_squeeze %dma_start3A_163 : memref<1x128xi32, #tpu.memory_space<vmem>> -> memref<128xi32, #tpu.memory_space<vmem>>
        %dma_start3A_165 = arith.constant 0 : i32
        %dma_start3A_166 = arith.constant 0 : i32
        %dma_start3A_167 = tpu.memref_slice %arg11[%dma_start3A_165, %dma_start3A_166] : memref<10240x64xf32, #tpu.memory_space<vmem_shared>> -> memref<10240x64xf32, #tpu.memory_space<vmem_shared>>
        tpu.enqueue_indirect_dma source(%dma_start3A_161 : memref<128x64xf32, #tpu.memory_space<vmem>>) target(%dma_start3A_167 : memref<10240x64xf32, #tpu.memory_space<vmem_shared>>) offsets(%dma_start3A_164 : memref<128xi32, #tpu.memory_space<vmem>>) semaphore(%run_scoped3A_157 : memref<!tpu.dma_semaphore, #tpu.memory_space<semaphore_mem>>) {add = true}
        %dma_wait3A_168 = arith.constant 0 : i32
        %dma_wait3A_169 = arith.constant 0 : i32
        %dma_wait3A_170 = tpu.memref_slice %arg10[%run_scoped3A_149, %dma_wait3A_168, %dma_wait3A_169] : memref<4x128x64xf32, #tpu.memory_space<vmem>> -> memref<1x128x64xf32, #tpu.memory_space<vmem>>
        %dma_wait3A_171 = tpu.memref_squeeze %dma_wait3A_170 : memref<1x128x64xf32, #tpu.memory_space<vmem>> -> memref<128x64xf32, #tpu.memory_space<vmem>>
        %dma_wait3A_172 = arith.constant 0 : i32
        %dma_wait3A_173 = tpu.memref_slice %arg9[%add3A_137, %dma_wait3A_172] : memref<80x128xi32, #tpu.memory_space<vmem>> -> memref<1x128xi32, #tpu.memory_space<vmem>>
        %dma_wait3A_174 = tpu.memref_squeeze %dma_wait3A_173 : memref<1x128xi32, #tpu.memory_space<vmem>> -> memref<128xi32, #tpu.memory_space<vmem>>
        %dma_wait3A_175 = arith.constant 0 : i32
        %dma_wait3A_176 = arith.constant 0 : i32
        %dma_wait3A_177 = tpu.memref_slice %arg11[%dma_wait3A_175, %dma_wait3A_176] : memref<10240x64xf32, #tpu.memory_space<vmem_shared>> -> memref<10240x64xf32, #tpu.memory_space<vmem_shared>>
        tpu.wait_indirect_dma semaphore(%run_scoped3A_157 : memref<!tpu.dma_semaphore, #tpu.memory_space<semaphore_mem>>) src(%dma_wait3A_171 : memref<128x64xf32, #tpu.memory_space<vmem>>) dst(%dma_wait3A_177 : memref<10240x64xf32, #tpu.memory_space<vmem_shared>>)
        tpu.yield
      }) : () -> ()
      %add3A_150 = arith.constant 4 : i32
      %add3A_151 = arith.addi %add3A_137, %add3A_150 : i32
      %lt3A_152 = arith.constant 80 : i32
      %lt3A_153 = arith.cmpi slt, %add3A_151, %lt3A_152 : i32
      %convert_element_type3A_154 = arith.extui %lt3A_153 : i1 to i32
      %cond3A_155 = arith.constant 0 : i32
      %cond3A_156 = arith.cmpi ne, %convert_element_type3A_154, %cond3A_155 : i32
      scf.if %cond3A_156 {
        %add3A_157 = arith.constant 4 : i32
        %add3A_158 = arith.addi %add3A_137, %add3A_157 : i32
        %dma_start3A_159 = arith.constant 3 : i32
        %dma_start3A_160 = arith.constant 0 : i32
        %dma_start3A_161 = arith.constant 0 : i32
        %dma_start3A_162 = tpu.memref_slice %arg10[%dma_start3A_159, %dma_start3A_160, %dma_start3A_161] : memref<4x128x64xf32, #tpu.memory_space<vmem>> -> memref<1x128x64xf32, #tpu.memory_space<vmem>>
        %dma_start3A_163 = tpu.memref_squeeze %dma_start3A_162 : memref<1x128x64xf32, #tpu.memory_space<vmem>> -> memref<128x64xf32, #tpu.memory_space<vmem>>
        %dma_start3A_164 = arith.constant 0 : i32
        %dma_start3A_165 = tpu.memref_slice %arg8[%add3A_158, %dma_start3A_164] : memref<80x128xi32, #tpu.memory_space<vmem>> -> memref<1x128xi32, #tpu.memory_space<vmem>>
        %dma_start3A_166 = tpu.memref_squeeze %dma_start3A_165 : memref<1x128xi32, #tpu.memory_space<vmem>> -> memref<128xi32, #tpu.memory_space<vmem>>
        %dma_start3A_167 = arith.constant 0 : i32
        %dma_start3A_168 = arith.constant 0 : i32
        %dma_start3A_169 = tpu.memref_slice %arg2[%dma_start3A_167, %dma_start3A_168] : memref<10000x64xf32, #tpu.memory_space<hbm>> -> memref<10000x64xf32, #tpu.memory_space<hbm>>
        tpu.enqueue_indirect_dma source(%dma_start3A_169 : memref<10000x64xf32, #tpu.memory_space<hbm>>) target(%dma_start3A_163 : memref<128x64xf32, #tpu.memory_space<vmem>>) offsets(%dma_start3A_166 : memref<128xi32, #tpu.memory_space<vmem>>) semaphore(%arg15 : memref<!tpu.dma_semaphore, #tpu.memory_space<semaphore_mem>>)
      } else {
      }
    }
    %scan3A_58 = arith.constant 20 : i32
    %barrier3A_59 = arith.constant 0 : index
    tpu.barrier barrier_id(%barrier3A_59)
    %eq3A = arith.constant 0 : i32
    %eq3A_60 = arith.cmpi eq, %arg0, %eq3A : i32
    %convert_element_type3A = arith.extui %eq3A_60 : i1 to i32
    %cond3A = arith.constant 0 : i32
    %cond3A_61 = arith.cmpi ne, %convert_element_type3A, %cond3A : i32
    scf.if %cond3A_61 {
      %mul3A_67 = arith.constant 640 : i32
      %mul3A_68 = arith.muli %arg1, %mul3A_67 : i32
      %mul3A_69 = arith.constant 640 : i32
      %mul3A_70 = arith.muli %arg1, %mul3A_69 : i32
      "tpu.region"() ({
        %run_scoped3A = tpu.sem_alloc : memref<!tpu.dma_semaphore, #tpu.memory_space<semaphore_mem>>
        %dma_start3A_71 = arith.constant 0 : i32
        %dma_start3A_72 = tpu.memref_slice %arg6[%mul3A_70, %dma_start3A_71] : memref<10240x64xf32, #tpu.memory_space<hbm>> -> memref<640x64xf32, #tpu.memory_space<hbm>>
        %dma_start3A_73 = arith.constant 0 : i32
        %dma_start3A_74 = tpu.memref_slice %arg11[%mul3A_68, %dma_start3A_73] : memref<10240x64xf32, #tpu.memory_space<vmem_shared>> -> memref<640x64xf32, #tpu.memory_space<vmem_shared>>
        tpu.enqueue_dma source(%dma_start3A_74 : memref<640x64xf32, #tpu.memory_space<vmem_shared>>) target(%dma_start3A_72 : memref<640x64xf32, #tpu.memory_space<hbm>>) target_semaphore(%run_scoped3A : memref<!tpu.dma_semaphore, #tpu.memory_space<semaphore_mem>>)
        %dma_wait3A = arith.constant 0 : i32
        %dma_wait3A_75 = tpu.memref_slice %arg6[%mul3A_70, %dma_wait3A] : memref<10240x64xf32, #tpu.memory_space<hbm>> -> memref<640x64xf32, #tpu.memory_space<hbm>>
        %dma_wait3A_76 = arith.constant 0 : i32
        %dma_wait3A_77 = tpu.memref_slice %arg11[%mul3A_68, %dma_wait3A_76] : memref<10240x64xf32, #tpu.memory_space<vmem_shared>> -> memref<640x64xf32, #tpu.memory_space<vmem_shared>>
        tpu.wait_dma2 semaphore(%run_scoped3A : memref<!tpu.dma_semaphore, #tpu.memory_space<semaphore_mem>>) src(%dma_wait3A_77 : memref<640x64xf32, #tpu.memory_space<vmem_shared>>) dst(%dma_wait3A_75 : memref<640x64xf32, #tpu.memory_space<hbm>>)
        tpu.yield
      }) : () -> ()
    } else {
    }
    %eq3A_62 = arith.constant 1 : i32
    %eq3A_63 = arith.cmpi eq, %arg0, %eq3A_62 : i32
    %convert_element_type3A_64 = arith.extui %eq3A_63 : i1 to i32
    %cond3A_65 = arith.constant 0 : i32
    %cond3A_66 = arith.cmpi ne, %convert_element_type3A_64, %cond3A_65 : i32
    scf.if %cond3A_66 {
      %mul3A_67 = arith.constant 640 : i32
      %mul3A_68 = arith.muli %arg1, %mul3A_67 : i32
      %mul3A_69 = arith.constant 640 : i32
      %mul3A_70 = arith.muli %arg1, %mul3A_69 : i32
      "tpu.region"() ({
        %run_scoped3A = tpu.sem_alloc : memref<!tpu.dma_semaphore, #tpu.memory_space<semaphore_mem>>
        %dma_start3A_71 = arith.constant 0 : i32
        %dma_start3A_72 = tpu.memref_slice %arg7[%mul3A_70, %dma_start3A_71] : memref<10240x64xf32, #tpu.memory_space<hbm>> -> memref<640x64xf32, #tpu.memory_space<hbm>>
        %dma_start3A_73 = arith.constant 0 : i32
        %dma_start3A_74 = tpu.memref_slice %arg11[%mul3A_68, %dma_start3A_73] : memref<10240x64xf32, #tpu.memory_space<vmem_shared>> -> memref<640x64xf32, #tpu.memory_space<vmem_shared>>
        tpu.enqueue_dma source(%dma_start3A_74 : memref<640x64xf32, #tpu.memory_space<vmem_shared>>) target(%dma_start3A_72 : memref<640x64xf32, #tpu.memory_space<hbm>>) target_semaphore(%run_scoped3A : memref<!tpu.dma_semaphore, #tpu.memory_space<semaphore_mem>>)
        %dma_wait3A = arith.constant 0 : i32
        %dma_wait3A_75 = tpu.memref_slice %arg7[%mul3A_70, %dma_wait3A] : memref<10240x64xf32, #tpu.memory_space<hbm>> -> memref<640x64xf32, #tpu.memory_space<hbm>>
        %dma_wait3A_76 = arith.constant 0 : i32
        %dma_wait3A_77 = tpu.memref_slice %arg11[%mul3A_68, %dma_wait3A_76] : memref<10240x64xf32, #tpu.memory_space<vmem_shared>> -> memref<640x64xf32, #tpu.memory_space<vmem_shared>>
        tpu.wait_dma2 semaphore(%run_scoped3A : memref<!tpu.dma_semaphore, #tpu.memory_space<semaphore_mem>>) src(%dma_wait3A_77 : memref<640x64xf32, #tpu.memory_space<vmem_shared>>) dst(%dma_wait3A_75 : memref<640x64xf32, #tpu.memory_space<hbm>>)
        tpu.yield
      }) : () -> ()
    } else {
    }
    return
  }
}

module attributes {stable_mosaic.version = 14 : i64} {
  func.func @_mm_body(%arg0: i32, %arg1: memref<1000x128xf32, #tpu.memory_space<vmem>>, %arg2: memref<128x64xf32, #tpu.memory_space<vmem>>, %arg3: memref<1000x1xf32, #tpu.memory_space<vmem>>, %arg4: memref<1000x1xf32, #tpu.memory_space<vmem>>, %arg5: memref<1000x64xf32, #tpu.memory_space<vmem>>, %arg6: memref<1000x1xf32, #tpu.memory_space<vmem>>) attributes {dimension_semantics = [#tpu.dimension_semantics<arbitrary>], iteration_bounds = array<i64: 10>, scalar_prefetch = 0 : i64, scratch_operands = 0 : i64, tpu.core_type = #tpu.core_type<tc>, window_params = [{transform_indices = @transform_0, window_bounds = array<i64: 1000, 128>}, {pipeline_mode = #tpu.pipeline_mode<synchronous>, transform_indices = @transform_1, window_bounds = array<i64: 128, 64>}, {transform_indices = @transform_2, window_bounds = array<i64: 1000, 1>}, {transform_indices = @transform_3, window_bounds = array<i64: 1000, 1>}, {transform_indices = @transform_4, window_bounds = array<i64: 1000, 64>}, {transform_indices = @transform_5, window_bounds = array<i64: 1000, 1>}]} {
    %get3A = arith.constant 0 : index
    %get3A_0 = arith.constant 0 : index
    %get3A_1 = vector.load %arg3[%get3A, %get3A_0] : memref<1000x1xf32, #tpu.memory_space<vmem>>, vector<1000x1xf32>
    %get3A_2 = arith.constant 0 : index
    %get3A_3 = arith.constant 0 : index
    %get3A_4 = vector.load %arg4[%get3A_2, %get3A_3] : memref<1000x1xf32, #tpu.memory_space<vmem>>, vector<1000x1xf32>
    %add3A = arith.addf %get3A_1, %get3A_4 : vector<1000x1xf32>
    %add3A_5 = arith.constant 1.000000e+00 : f32
    %add3A_6 = vector.broadcast %add3A_5 : f32 to vector<1000x1xf32>
    %add3A_7 = arith.addf %add3A, %add3A_6 : vector<1000x1xf32>
    %rsqrt3A = math.rsqrt %add3A_7 : vector<1000x1xf32>
    %get3A_8 = arith.constant 0 : index
    %get3A_9 = arith.constant 0 : index
    %get3A_10 = vector.load %arg1[%get3A_8, %get3A_9] : memref<1000x128xf32, #tpu.memory_space<vmem>>, vector<1000x128xf32>
    %get3A_11 = arith.constant 0 : index
    %get3A_12 = arith.constant 0 : index
    %get3A_13 = vector.load %arg2[%get3A_11, %get3A_12] : memref<128x64xf32, #tpu.memory_space<vmem>>, vector<128x64xf32>
    %dot_general3A = arith.constant dense<0.000000e+00> : vector<1000x64xf32>
    %dot_general3A_14 = tpu.matmul %get3A_10, %get3A_13, %dot_general3A {dimension_numbers = #tpu.dot_dimension_numbers<[1], [0], [0], [1], [0, 0, 1, 1], [], []>, transpose_lhs_hint = false} : vector<1000x128xf32>, vector<128x64xf32>, vector<1000x64xf32> -> vector<1000x64xf32>
    %mul3A = vector.broadcast %rsqrt3A : vector<1000x1xf32> to vector<1000x64xf32>
    %mul3A_15 = arith.mulf %dot_general3A_14, %mul3A : vector<1000x64xf32>
    %swap3A = arith.constant 0 : index
    %swap3A_16 = arith.constant 0 : index
    %swap3A_17 = vector.load %arg5[%swap3A, %swap3A_16] : memref<1000x64xf32, #tpu.memory_space<vmem>>, vector<1000x64xf32>
    tpu.vector_store %arg5[%swap3A, %swap3A_16], %mul3A_15 {strides = array<i32>} : memref<1000x64xf32, #tpu.memory_space<vmem>>, vector<1000x64xf32>,
    %swap3A_18 = arith.constant 0 : index
    %swap3A_19 = arith.constant 0 : index
    %swap3A_20 = vector.load %arg6[%swap3A_18, %swap3A_19] : memref<1000x1xf32, #tpu.memory_space<vmem>>, vector<1000x1xf32>
    tpu.vector_store %arg6[%swap3A_18, %swap3A_19], %rsqrt3A {strides = array<i32>} : memref<1000x1xf32, #tpu.memory_space<vmem>>, vector<1000x1xf32>,
    return
  }
  func.func @transform_0(%arg0: i32) -> (i32, i32) {
    %c0_i32 = arith.constant 0 : i32
    %c0_i32_0 = arith.constant 0 : i32
    return %arg0, %c0_i32 : i32, i32
  }
  func.func @transform_1(%arg0: i32) -> (i32, i32) {
    %c0_i32 = arith.constant 0 : i32
    %c0_i32_0 = arith.constant 0 : i32
    %c0_i32_1 = arith.constant 0 : i32
    return %c0_i32, %c0_i32_0 : i32, i32
  }
  func.func @transform_2(%arg0: i32) -> (i32, i32) {
    %c0_i32 = arith.constant 0 : i32
    %c0_i32_0 = arith.constant 0 : i32
    return %arg0, %c0_i32 : i32, i32
  }
  func.func @transform_3(%arg0: i32) -> (i32, i32) {
    %c0_i32 = arith.constant 0 : i32
    %c0_i32_0 = arith.constant 0 : i32
    return %arg0, %c0_i32 : i32, i32
  }
  func.func @transform_4(%arg0: i32) -> (i32, i32) {
    %c0_i32 = arith.constant 0 : i32
    %c0_i32_0 = arith.constant 0 : i32
    return %arg0, %c0_i32 : i32, i32
  }
  func.func @transform_5(%arg0: i32) -> (i32, i32) {
    %c0_i32 = arith.constant 0 : i32
    %c0_i32_0 = arith.constant 0 : i32
    return %arg0, %c0_i32 : i32, i32
  }
}

module attributes {stable_mosaic.version = 14 : i64} {
  func.func @_final_body(%arg0: i32, %arg1: memref<1000x64xf32, #tpu.memory_space<vmem>>, %arg2: memref<1000x64xf32, #tpu.memory_space<vmem>>, %arg3: memref<1000x64xf32, #tpu.memory_space<vmem>>, %arg4: memref<1000x1xf32, #tpu.memory_space<vmem>>, %arg5: memref<1x64xf32, #tpu.memory_space<vmem>>, %arg6: memref<1000x64xf32, #tpu.memory_space<vmem>>) attributes {dimension_semantics = [#tpu.dimension_semantics<arbitrary>], iteration_bounds = array<i64: 10>, scalar_prefetch = 0 : i64, scratch_operands = 0 : i64, tpu.core_type = #tpu.core_type<tc>, window_params = [{transform_indices = @transform_0, window_bounds = array<i64: 1000, 64>}, {transform_indices = @transform_1, window_bounds = array<i64: 1000, 64>}, {transform_indices = @transform_2, window_bounds = array<i64: 1000, 64>}, {transform_indices = @transform_3, window_bounds = array<i64: 1000, 1>}, {pipeline_mode = #tpu.pipeline_mode<synchronous>, transform_indices = @transform_4, window_bounds = array<i64: 1, 64>}, {transform_indices = @transform_5, window_bounds = array<i64: 1000, 64>}]} {
    %get3A = arith.constant 0 : index
    %get3A_0 = arith.constant 0 : index
    %get3A_1 = vector.load %arg1[%get3A, %get3A_0] : memref<1000x64xf32, #tpu.memory_space<vmem>>, vector<1000x64xf32>
    %get3A_2 = arith.constant 0 : index
    %get3A_3 = arith.constant 0 : index
    %get3A_4 = vector.load %arg2[%get3A_2, %get3A_3] : memref<1000x64xf32, #tpu.memory_space<vmem>>, vector<1000x64xf32>
    %add3A = arith.addf %get3A_1, %get3A_4 : vector<1000x64xf32>
    %get3A_5 = arith.constant 0 : index
    %get3A_6 = arith.constant 0 : index
    %get3A_7 = vector.load %arg3[%get3A_5, %get3A_6] : memref<1000x64xf32, #tpu.memory_space<vmem>>, vector<1000x64xf32>
    %add3A_8 = arith.addf %add3A, %get3A_7 : vector<1000x64xf32>
    %get3A_9 = arith.constant 0 : index
    %get3A_10 = arith.constant 0 : index
    %get3A_11 = vector.load %arg4[%get3A_9, %get3A_10] : memref<1000x1xf32, #tpu.memory_space<vmem>>, vector<1000x1xf32>
    %mul3A = vector.broadcast %get3A_11 : vector<1000x1xf32> to vector<1000x64xf32>
    %mul3A_12 = arith.mulf %add3A_8, %mul3A : vector<1000x64xf32>
    %get3A_13 = arith.constant 0 : index
    %get3A_14 = arith.constant 0 : index
    %get3A_15 = vector.load %arg5[%get3A_13, %get3A_14] : memref<1x64xf32, #tpu.memory_space<vmem>>, vector<1x64xf32>
    %add3A_16 = vector.broadcast %get3A_15 : vector<1x64xf32> to vector<1000x64xf32>
    %add3A_17 = arith.addf %mul3A_12, %add3A_16 : vector<1000x64xf32>
    %max3A = arith.constant 0.000000e+00 : f32
    %max3A_18 = vector.broadcast %max3A : f32 to vector<1000x64xf32>
    %max3A_19 = arith.maximumf %add3A_17, %max3A_18 : vector<1000x64xf32>
    %swap3A = arith.constant 0 : index
    %swap3A_20 = arith.constant 0 : index
    %swap3A_21 = vector.load %arg6[%swap3A, %swap3A_20] : memref<1000x64xf32, #tpu.memory_space<vmem>>, vector<1000x64xf32>
    tpu.vector_store %arg6[%swap3A, %swap3A_20], %max3A_19 {strides = array<i32>} : memref<1000x64xf32, #tpu.memory_space<vmem>>, vector<1000x64xf32>,
    return
  }
  func.func @transform_0(%arg0: i32) -> (i32, i32) {
    %c0_i32 = arith.constant 0 : i32
    %c0_i32_0 = arith.constant 0 : i32
    return %arg0, %c0_i32 : i32, i32
  }
  func.func @transform_1(%arg0: i32) -> (i32, i32) {
    %c0_i32 = arith.constant 0 : i32
    %c0_i32_0 = arith.constant 0 : i32
    return %arg0, %c0_i32 : i32, i32
  }
  func.func @transform_2(%arg0: i32) -> (i32, i32) {
    %c0_i32 = arith.constant 0 : i32
    %c0_i32_0 = arith.constant 0 : i32
    return %arg0, %c0_i32 : i32, i32
  }
  func.func @transform_3(%arg0: i32) -> (i32, i32) {
    %c0_i32 = arith.constant 0 : i32
    %c0_i32_0 = arith.constant 0 : i32
    return %arg0, %c0_i32 : i32, i32
  }
  func.func @transform_4(%arg0: i32) -> (i32, i32) {
    %c0_i32 = arith.constant 0 : i32
    %c0_i32_0 = arith.constant 0 : i32
    %c0_i32_1 = arith.constant 0 : i32
    return %c0_i32, %c0_i32_0 : i32, i32
  }
  func.func @transform_5(%arg0: i32) -> (i32, i32) {
    %c0_i32 = arith.constant 0 : i32
    %c0_i32_0 = arith.constant 0 : i32
    return %arg0, %c0_i32 : i32, i32
  }
}

</mosaic_0001>

<sc_bundles>
// kernel: kernel.6.cloned.1.call-start
scs
__scs_entry_jumppad:
0x0: {  	(pc) =	sbr.rel $0x88, $3  }
0x1: {  	(tag) =	ssettag $0x0;
	lr =	simm.s32 $0x1  }
0x2: {  	[smem:$0x3F9D] =	sst lr;
	_ =	strace $0xD0000000  }
0x3: {  	_ = 	snop  }
0x4: {  	_ = 	snop  }
0x5: {  	_ = 	snop  }
0x6: {  	_ = 	snop  }
0x7: {  	_ = 	snop  }
__scs_overlays_trampoline_lowered:
0x8: {  	[smem:$0x3FAC] =	sst s0  }
0x9: {  	[smem:$0x3FAD] =	sst s1  }
0xa: {  	[smem:$0x3FAE] =	sst s2  }
0xb: {  	[smem:$0x3FAF] =	sst s3  }
0xc: {  	[smem:$0x3FB0] =	sst s4  }
0xd: {  	[smem:$0x3FB1] =	sst s5  }
0xe: {  	[smem:$0x3FB2] =	sst s6  }
0xf: {  	[smem:$0x3FB3] =	sst s7  }
0x10: {  	[smem:$0x3FB4] =	sst s8  }
0x11: {  	[smem:$0x3FB5] =	sst s9;
	s0 =	simm.s32 @!p0 $0x0  }
0x12: {  	s1 =	sld [smem:$0x3F9B];
	s0 =	simm.s32 @p0 $0x1  }
0x13: {  	[smem:$0x3FB6] =	sst s0;
	s0 =	simm.s32 @!p1 $0x0  }
0x14: {  	s2 =	sld [smem:$0x3F9A];
	s0 =	simm.s32 @p1 $0x1  }
0x15: {  	[smem:$0x3FB7] =	sst s0;
	s0 =	simm.s32 @!p2 $0x0  }
0x16: {  	s3 =	sld [smem:$0x3FDB];
	s0 =	simm.s32 @p2 $0x1  }
0x17: {  	s4 =	simm.s32 $0x1BF5;
	[smem:$0x3FB9] =	sst s0  }
0x18: {  	s0 =	sld [smem:$0x3F9C];
	_ =	swait.ge [sflag:s4], $0x0  }
0x19: {  	s7 =	sld [smem:$0x3F9D]  }
0x1a: {  	s8 =	sadd.s32 $0xFFFFE003, lr  }
0x1b: {  	s9 =	sadd.s32 $0xFFFFFEF7, lr;
	s5 =	simm.s32 $0xFFFFFFFF;
	p2 =	slt.u32 s8, $0xFFFFF086  }
0x1c: {  	p1 =	slt.u32 s9, $0xF7A;
	s5 =	simm.s32 @!p2 $0x0  }
0x1d: {  	s5 =	simm.s32 @p1 $0x1;
	p0 =	seq.s32 s7, s2  }
0x1e: {  	s7 =	smul.u32 @!p0 $0xF7A, s2;
	p2 =	seq.s32 @!p0 s5, $0x0  }
0x1f: {  	s9 =	smul.u32 $0xF7A, s1;
	s8 =	simm.s32 @!p0 $0x1BF5;
	p2 =	por !p2, p0  }
0x20: {  	[sflag:s8] =	ssyncset.s32 @!p0 $0xFFFFF086;
	s6 =	sadd.s32 @!p0 s3, s7;
	s7 =	simm.s32 @!p0 $0x108  }
0x21: {  	s3 =	sadd.s32 s3, s9;
	s6 =	sadd.s32 @!p0 $0x88, s6;
	s7 =	simm.s32 @p2 $0x1082  }
0x22: {  	[simem:s7], [sflag:s8] =	dma.local @!p0 [hbm:s6], $0xF7A  }
0x23: {  	s9 =	sor.u32 $0xD0000000, s2;
	s6 =	simm.s32 $0x108;
	_ =	swait.ge @!p0 [sflag:s8], $0x0  }
0x24: {  	s3 =	sadd.s32 $0x88, s3;
	s6 =	simm.s32 @!p1 $0x1082;
	[sflag:s4] =	ssyncset.s32 $0xFFFFF086  }
0x25: {  	[simem:s6], [sflag:s4] =	dma.local [hbm:s3], $0xF7A  }
0x26: {  	[smem:$0x3F9D] =	sst s1;
	(tag) =	ssettag s2;
	_ =	strace s9  }
0x27: {  	s1 =	sld [smem:$0x3FAD]  }
0x28: {  	s2 =	sld [smem:$0x3FAE]  }
0x29: {  	s4 =	sld [smem:$0x3FB0]  }
0x2a: {  	p0 =	seq.s32 s5, $0x0;
	s5 =	sld [smem:$0x3FB1]  }
0x2b: {  	s6 =	sld [smem:$0x3FB2]  }
0x2c: {  	s7 =	sld [smem:$0x3FB3]  }
0x2d: {  	s3 =	simm.s32 $0x108;
	s8 =	sld [smem:$0x3FB4]  }
0x2e: {  	s3 =	simm.s32 @!p0 $0x1082;
	s9 =	sld [smem:$0x3FB5]  }
0x2f: {  	lr =	sadd.s32 s0, s3;
	s0 =	sld [smem:$0x3FAC]  }
0x30: {  	s3 =	sld [smem:$0x3FAF]  }
0x31: {  	[smem:$0x3FB8] =	sst s10  }
0x32: {  	s10 =	sld [smem:$0x3FB6];
	_ =	sdelay $0x3  }
0x33: {  	p0 =	seq.s32 s10, $0x1;
	s10 =	sld [smem:$0x3FB8];
	_ =	sdelay $0x3  }
0x34: {  	[smem:$0x3FB8] =	sst s10  }
0x35: {  	s10 =	sld [smem:$0x3FB7];
	_ =	sdelay $0x3  }
0x36: {  	p1 =	seq.s32 s10, $0x1;
	s10 =	sld [smem:$0x3FB8];
	_ =	sdelay $0x3  }
0x37: {  	[smem:$0x3FB8] =	sst s10  }
0x38: {  	s10 =	sld [smem:$0x3FB9]  }
0x39: {  	_ = 	snop;
	(pc) =	sbr.ind lr, $3  }
0x3a: {  	_ = 	snop  }
0x3b: {  	_ = 	snop  }
0x3c: {  	p2 =	seq.s32 s10, $0x1;
	s10 =	sld [smem:$0x3FB8]  }
0x3d: {  	_ =	shalt  }
0x3e: {  	_ =	shalt  }
0x3f: {  	_ =	shalt  }
0x40: {  	_ =	shalt  }
0x41: {  	_ =	shalt  }
0x42: {  	_ =	shalt  }
0x43: {  	_ =	shalt  }
0x44: {  	_ =	shalt  }
0x45: {  	_ =	shalt  }
0x46: {  	_ =	shalt  }
0x47: {  	_ =	shalt  }
0x48: {  	_ =	shalt  }
0x49: {  	_ =	shalt  }
0x4a: {  	_ =	shalt  }
0x4b: {  	_ =	shalt  }
0x4c: {  	_ =	shalt  }
0x4d: {  	_ =	shalt  }
0x4e: {  	_ =	shalt  }
0x4f: {  	_ =	shalt  }
0x50: {  	_ =	shalt  }
0x51: {  	_ =	shalt  }
0x52: {  	_ =	shalt  }
0x53: {  	_ =	shalt  }
0x54: {  	_ =	shalt  }
0x55: {  	_ =	shalt  }
0x56: {  	_ =	shalt  }
0x57: {  	_ =	shalt  }
0x58: {  	_ =	shalt  }
0x59: {  	_ =	shalt  }
0x5a: {  	_ =	shalt  }
0x5b: {  	_ =	shalt  }
0x5c: {  	_ =	shalt  }
0x5d: {  	_ =	shalt  }
0x5e: {  	_ =	shalt  }
0x5f: {  	_ =	shalt  }
0x60: {  	_ =	shalt  }
0x61: {  	_ =	shalt  }
0x62: {  	_ =	shalt  }
0x63: {  	_ =	shalt  }
0x64: {  	_ =	shalt  }
0x65: {  	_ =	shalt  }
0x66: {  	_ =	shalt  }
0x67: {  	_ =	shalt  }
0x68: {  	_ =	shalt  }
0x69: {  	_ =	shalt  }
0x6a: {  	_ =	shalt  }
0x6b: {  	_ =	shalt  }
0x6c: {  	_ =	shalt  }
0x6d: {  	_ =	shalt  }
0x6e: {  	_ =	shalt  }
0x6f: {  	_ =	shalt  }
0x70: {  	_ =	shalt  }
0x71: {  	_ =	shalt  }
0x72: {  	_ =	shalt  }
0x73: {  	_ =	shalt  }
0x74: {  	_ =	shalt  }
0x75: {  	_ =	shalt  }
0x76: {  	_ =	shalt  }
0x77: {  	_ =	shalt  }
0x78: {  	_ =	shalt  }
0x79: {  	_ =	shalt  }
0x7a: {  	_ =	shalt  }
0x7b: {  	_ =	shalt  }
0x7c: {  	_ =	shalt  }
0x7d: {  	_ =	shalt  }
0x7e: {  	_ =	shalt  }
0x7f: {  	_ =	shalt  }
0x80: {  	_ =	shalt  }
0x81: {  	_ =	shalt  }
0x82: {  	_ =	shalt  }
0x83: {  	_ =	shalt  }
0x84: {  	_ =	shalt  }
0x85: {  	_ =	shalt  }
0x86: {  	_ =	shalt  }
0x87: {  	_ =	shalt  }
.Lfunc_end0:
.L_simem_size_0:
called_computation_lowered:
.L_overlay_start_0:
0x88: {  	s2 =	sld [smem:$0x3FD9]  }
0x89: {  	s3 =	sld [smem:$0x3FFE];
	_ =	sdelay $0x1  }
0x8a: {  	s1 =	srdreg.scid  }
0x8b: {  	s0 =	sand.u32 $0x1, s1  }
0x8c: {  	s17 =	sshll.u32 s0, $0xA;
	s2 =	sadd.s32 s3, s2  }
0x8d: {  	s2 =	sadd.s32 s2, s17  }
0x8e: {  	[smem:$0x3FC4] =	sst s2  }
0x8f: {  	_ = 	snop  }
0x90: {  	s2 =	sld [smem:$0x3FD0];
	(tm) =	ssettm $0x1  }
0x91: {  	s18 =	sld [smem:$0x3FFB];
	_ =	sdelay $0x3  }
0x92: {  	_ =	strace s18  }
0x93: {  	s3 =	sld [smem:$0x3FFC];
	_ =	sdelay $0x3  }
0x94: {  	_ =	strace s3  }
0x95: {  	s3 =	sld [smem:$0x3FFD];
	_ =	sdelay $0x3  }
0x96: {  	_ =	strace s3  }
0x97: {  	_ =	strace $0x8FFFFFFF  }
0x98: {  	s19 =	sld [smem:$0x3FDB];
	_ =	sdelay $0x1  }
0x99: {  	s4 =	simm.s32 $_scs_section_size  }
0x9a: {  	s5 =	simm.s32 $_size__tile_overlayer_lowered;
	s6 =	simm.s32 $_tile_overlayer_lowered  }
0x9b: {  	s22 =	simm.s32 $0x1BFF;
	s21 =	sshll.u32 s6, $0x1;
	s3 =	sadd.s32 s4, s19  }
0x9c: {  	s7 =	simm.s32 $0x0;
	s20 =	sshll.u32 s5, $0x1;
	s5 =	sadd.s32 s21, s3  }
0x9d: {  	[timem:s7], [sflag:s22] =	dma.local [hbm:s5], s20  }
0x9e: {  	_ =	swait.ge [sflag:s22], s20  }
0x9f: {  	s4 =	ssub.s32 $0x0, s20;
	[sflag:s22] =	ssyncset.done $0x0  }
0xa0: {  	[sflag:s22] =	ssyncadd.s32 s4;
	_ =	sdelay $0x1  }
0xa1: {  	s23 =	simm.s32 $0x1B8B  }
0xa2: {  	_ =	swait.ge [sflag:s23], $0x1  }
0xa3: {  	[sflag:s23] =	ssyncset.done $0x0  }
0xa4: {  	s25 =	simm.s32 $0x1B8E;
	s24 =	sld [smem:$0x3FFE];
	[sflag:s23] =	ssyncadd.s32 $0xFFFFFFFF  }
0xa5: {  	s26 =	simm.s32 $execute0_lowered;
	[smem:$0x3FD2] =	sst s25  }
0xa6: {  	s5 =	sshll.u32 s26, $0x1;
	_ =	strace $0x80000046;
	[dreg:$0x1] =	wrdreg $0xFFFFFFFF  }
0xa7: {  	s28 =	simm.s32 $_size_execute0_lowered;
	s3 =	sadd.s32 s3, s5;
	[dreg:$0x0] =	wrdreg $0x0  }
0xa8: {  	s5 =	sshll.u32 s28, $0x1;
	[dreg:$0x2] =	wrdreg s3  }
0xa9: {  	[dreg:$0x3] =	wrdreg s5  }
0xaa: {  	[dreg:$0x4] =	wrdreg $0xC0  }
0xab: {  	_ =	task [dreg:s7], $0x5FFFF  }
0xac: {  	[dreg:$0x1] =	wrdreg $0xFFFFFFFF  }
0xad: {  	[dreg:$0x0] =	wrdreg $0x60  }
0xae: {  	[dreg:$0x2] =	wrdreg s2  }
0xaf: {  	[dreg:$0x3] =	wrdreg s24  }
0xb0: {  	[dreg:$0x4] =	wrdreg $0x28800  }
0xb1: {  	[dreg:$0x5] =	wrdreg $0x9  }
0xb2: {  	_ =	task.clear_ibuf [dreg:s7], $0x6FFFF;
	_ =	strace $0x90000046  }
0xb3: {  	s29 =	simm.s32 $0x9;
	_ =	strace $0x80000048  }
0xb4: {  	_ =	swait.ge [sflag:s29], $0x1  }
0xb5: {  	[sflag:s29] =	ssyncadd.s32 $0xFFFFFFFF  }
0xb6: {  	_ =	strace $0x90000048  }
0xb7: {  	_ =	sfence  }
0xb8: {  	s30 =	sld [smem:$0x0];
	_ =	sdelay $0x2  }
0xb9: {  	s31 =	sshll.u32 s1, $0xD;
	s1 =	sshrl.u32 s1, $0x2  }
0xba: {  	s3 =	sand.u32 $0x4000, s31;
	s1 =	sadd.s32 s1, s30  }
0xbb: {  	s0 =	sor.u32 s3, s0;
	s1 =	sshll.u32 s1, $0x11  }
0xbc: {  	s0 =	sor.u32 s1, s0  }
0xbd: {  	s0 =	sadd.s32 $0x8F2B, s0  }
0xbe: {  	[sflag:s0] =	ssyncadd.remote.s32 $0x1  }
0xbf: {  	_ =	sfence.sel $0xFFFF  }
0xc0: {  	[dreg:$0x0] =	wrdreg $0xFFFFFFFF;
	(pc) =	sbr.abs _section_cstart, $3  }
0xc1: {  	[dreg:$0x1] =	wrdreg $0xFFFFFFFF  }
0xc2: {  	_ =	task.clear_ibuf [dreg:s7], $0x2FFFF;
	_ =	strace $0x9FFFFFFF  }
0xc3: {  	(tm) =	ssettm $0x7FFFFFFF  }
tec
execute0_lowered:
.L_overlay_start_1:
0x0: {  	(tag) =	ssettag $0x1  }
0x1: {  	s6 =	rddreg [dreg:$0x0]  }
0x2: {  	s7 =	rddreg [dreg:$0x1]  }
0x3: {  	s1 =	rddreg [dreg:$0x2]  }
0x4: {  	s0 =	rddreg [dreg:$0x3];
	s2 =	simm.s32 $0x0  }
0x5: {  	s3 =	srdreg.scid;
	s14 =	simm.s32 $0x0;
	[smem:$0x7FF] =	sst s2  }
0x6: {  	s8 =	sand.u32 $0x1, s3;
	s3 =	stileid.u32;
	s4 =	sadd.s32 $0xBE00, s7  }
0x7: {  	_ =	strace $0x80000047;
	s5 =	sshll.u32 s8, $0x4;
	s9 =	ssub.s32 $0x2, s8  }
0x8: {  	s12 =	smul.u32 $0x280, s3;
	p0 =	seq.s32 s8, $0x1;
	s8 =	simm.s32 $0xC200  }
0x9: {  	s31 =	sshll.u32 s3, $0x6;
	s10 =	sor.u32 s3, s5;
	s5 =	sadd.s32 $0xC000, s7  }
0xa: {  	s11 =	sshrl.u32 s9, $0x1;
	s8 =	simm.s32 @!p0 $0xC800;
	s10 =	smul.u32 $0x500, s10  }
0xb: {  	s9 =	ssub.s32 s9, s11;
	s13 =	sadd.s32 s12, s1;
	s30 =	sshrl.u32 s12, $0x3  }
0xc: {  	s8 =	sadd.s32 s8, s7;
	s11 =	sor.u32 $0x1C01, s31;
	s7 =	smax.u32 s9, $0x1  }
0xd: {  	s8 =	sadd.s32 s8, s30;
	s9 =	simm.s32 $0x2800;
	s12 =	sshrl.u32 s13, $0x3  }
0xe: {  	s13 =	simm.s32 $0x80;
	s6 =	sadd.s32 s6, s10;
	s10 =	simm.s32 $0x1  }
.LBB2_1:
0xf: {  	[tilespmem:s9], [sflag:$0x1] =	stream.linear.gather [hbm4b:s4+s2], $0x80, $0x38;
	[tilespmem:$0x2B00] =	vst v63  }
0x10: {  	_ =	swait.ge [sflag:s10], $0x80  }
0x11: {  	[sflag:s10] =	ssyncset.done $0x0  }
0x12: {  	[sflag:s10] =	ssyncadd.s32 $0xFFFFFF80  }
0x13: {  	[tilespmem:s2], [sflag:$0x1] =	stream.linear.gather [hbm4b:s6+s2], $0x2800, $0x38;
	[tilespmem:$0x2B00] =	vst v63  }
0x14: {  	_ =	swait.ge [sflag:s10], $0x2800  }
0x15: {  	[sflag:s10] =	ssyncset.done $0x0  }
0x16: {  	[sflag:s10] =	ssyncadd.s32 $0xFFFFD800  }
0x17: {  	[spmem:s12], [sflag:s11] =	dma.local [hbm:s5], $0x50  }
0x18: {  	_ =	swait.ge [sflag:s10], $0x50  }
0x19: {  	[sflag:s10] =	ssyncset.done $0x0  }
0x1a: {  	[sflag:s10] =	ssyncadd.s32 $0xFFFFFFB0  }
0x1b: {  	s15 =	simm.s32 $0x0;
	[bflag:$0x0] =	sbarrier.arrive $0xFFFF  }
0x1c: {  	[spmem:s1] =	stream.indirect.scatter.add.f32 [tilespmem:s9], [sflag:$0x1], $0x1, s15, s13, $0xb8;
	[tilespmem:$0x2B00] =	vst v63  }
0x1d: {  	_ =	swait.ge [sflag:s10], $0x80  }
0x1e: {  	s15 =	simm.s32 $0x200;
	[sflag:s10] =	ssyncset.done $0x0  }
.LBB2_2:
0x1f: {  	s16 =	sshra.s32 s15, $0x2;
	[sflag:s10] =	ssyncadd.s32 $0xFFFFFF80;
	p0 =	sne.s32 s15, $0x9E00  }
0x20: {  	[spmem:s1] =	stream.indirect.scatter.add.f32 [tilespmem:s9], [sflag:$0x1], $0x1, s16, s13, $0xb8;
	[tilespmem:$0x2B00] =	vst v63  }
.Ltmp0:
0x21: {  	_ = 	snop;
	(pc) =	sbr.rel @p0 .LBB2_2-.Ltmp0, $4  }
0x22: {  	_ = 	snop  }
0x23: {  	s15 =	sadd.s32 $0x200, s15  }
0x24: {  	_ =	swait.ge [sflag:s10], $0x80  }
0x25: {  	[sflag:s10] =	ssyncset.done $0x0  }
0x26: {  	s14 =	sadd.s32 $0x1, s14  }
0x27: {  	[sflag:s10] =	ssyncadd.s32 $0xFFFFFF80;
	p0 =	sne.s32 s14, s7  }
.Ltmp1:
0x28: {  	[bflag:$0x0] =	sbarrier.arrive $0xFFFF;
	(pc) =	sbr.rel @p0 .LBB2_1-.Ltmp1, $4  }
0x29: {  	[hbm:s8], [sflag:s11] =	dma.local [spmem:s12], $0x50  }
0x2a: {  	_ =	swait.ge [sflag:s10], $0x50  }
0x2b: {  	[sflag:s10] =	ssyncset.done $0x0  }
0x2c: {  	[sflag:s10] =	ssyncadd.s32 $0xFFFFFFB0  }
0x2d: {  	_ =	sfence.sel $0x180000  }
0x2e: {  	[bflag:$0x0] =	sbarrier.arrive $0xFFFF  }
0x2f: {  	p0 =	sne.s32 s3, $0x0;
	_ =	strace $0x90000047  }
0x30: {  	s0 =	sadd.s32 @!p0 $0x100000, s0;
	[bflag:$0x2] =	sbarrier.arrive $0xFFFF  }
0x31: {  	[sflag:s0] =	ssyncadd.tile.s32 @!p0 $0x1;
	_ =	shalt  }
.Lfunc_end2:
_tile_overlayer_lowered:
.L_overlay_start_2:
0x32: {  	(tag) =	ssettag $0x2  }
0x33: {  	s0 =	rddreg [dreg:$0x0];
	s2 =	stileid.u32  }
0x34: {  	s1 =	rddreg [dreg:$0x1];
	p0 =	sne.s32 s2, $0x0  }
0x35: {  	s3 =	rddreg [dreg:$0x2];
	[bflag:$0x3] =	sbarrier.arrive $0xFFFF;
	s2 =	simm.s32 @!p0 $0x1C01  }
0x36: {  	[timem:s3], [sflag:s2] =	dma.local @!p0 [hbm:s0], s1  }
0x37: {  	s0 =	simm.s32 @!p0 $0x1  }
0x38: {  	_ =	swait.ge @!p0 [sflag:s0], s1  }
0x39: {  	s1 =	ssub.s32 @!p0 $0x0, s1;
	[sflag:s0] =	ssyncset.done @!p0 $0x0  }
0x3a: {  	[sflag:s0] =	ssyncadd.s32 @!p0 s1  }
0x3b: {  	[bflag:$0x3] =	sbarrier.arrive $0xFFFF  }
0x3c: {  	_ =	shalt  }

// kernel: kernel.9.cloned.1.call-start
scs
__scs_entry_jumppad:
0x0: {  	(pc) =	sbr.rel $0x88, $3  }
0x1: {  	(tag) =	ssettag $0x0;
	lr =	simm.s32 $0x1  }
0x2: {  	[smem:$0x3F9D] =	sst lr;
	_ =	strace $0xD0000000  }
0x3: {  	_ = 	snop  }
0x4: {  	_ = 	snop  }
0x5: {  	_ = 	snop  }
0x6: {  	_ = 	snop  }
0x7: {  	_ = 	snop  }
__scs_overlays_trampoline_lowered:
0x8: {  	[smem:$0x3FAC] =	sst s0  }
0x9: {  	[smem:$0x3FAD] =	sst s1  }
0xa: {  	[smem:$0x3FAE] =	sst s2  }
0xb: {  	[smem:$0x3FAF] =	sst s3  }
0xc: {  	[smem:$0x3FB0] =	sst s4  }
0xd: {  	[smem:$0x3FB1] =	sst s5  }
0xe: {  	[smem:$0x3FB2] =	sst s6  }
0xf: {  	[smem:$0x3FB3] =	sst s7  }
0x10: {  	[smem:$0x3FB4] =	sst s8  }
0x11: {  	[smem:$0x3FB5] =	sst s9;
	s0 =	simm.s32 @!p0 $0x0  }
0x12: {  	s1 =	sld [smem:$0x3F9B];
	s0 =	simm.s32 @p0 $0x1  }
0x13: {  	[smem:$0x3FB6] =	sst s0;
	s0 =	simm.s32 @!p1 $0x0  }
0x14: {  	s2 =	sld [smem:$0x3F9A];
	s0 =	simm.s32 @p1 $0x1  }
0x15: {  	[smem:$0x3FB7] =	sst s0;
	s0 =	simm.s32 @!p2 $0x0  }
0x16: {  	s3 =	sld [smem:$0x3FDB];
	s0 =	simm.s32 @p2 $0x1  }
0x17: {  	s4 =	simm.s32 $0x1BF5;
	[smem:$0x3FB9] =	sst s0  }
0x18: {  	s0 =	sld [smem:$0x3F9C];
	_ =	swait.ge [sflag:s4], $0x0  }
0x19: {  	s7 =	sld [smem:$0x3F9D]  }
0x1a: {  	s8 =	sadd.s32 $0xFFFFE003, lr  }
0x1b: {  	s9 =	sadd.s32 $0xFFFFFEF7, lr;
	s5 =	simm.s32 $0xFFFFFFFF;
	p2 =	slt.u32 s8, $0xFFFFF086  }
0x1c: {  	p1 =	slt.u32 s9, $0xF7A;
	s5 =	simm.s32 @!p2 $0x0  }
0x1d: {  	s5 =	simm.s32 @p1 $0x1;
	p0 =	seq.s32 s7, s2  }
0x1e: {  	s7 =	smul.u32 @!p0 $0xF7A, s2;
	p2 =	seq.s32 @!p0 s5, $0x0  }
0x1f: {  	s9 =	smul.u32 $0xF7A, s1;
	s8 =	simm.s32 @!p0 $0x1BF5;
	p2 =	por !p2, p0  }
0x20: {  	[sflag:s8] =	ssyncset.s32 @!p0 $0xFFFFF086;
	s6 =	sadd.s32 @!p0 s3, s7;
	s7 =	simm.s32 @!p0 $0x108  }
0x21: {  	s3 =	sadd.s32 s3, s9;
	s6 =	sadd.s32 @!p0 $0x88, s6;
	s7 =	simm.s32 @p2 $0x1082  }
0x22: {  	[simem:s7], [sflag:s8] =	dma.local @!p0 [hbm:s6], $0xF7A  }
0x23: {  	s9 =	sor.u32 $0xD0000000, s2;
	s6 =	simm.s32 $0x108;
	_ =	swait.ge @!p0 [sflag:s8], $0x0  }
0x24: {  	s3 =	sadd.s32 $0x88, s3;
	s6 =	simm.s32 @!p1 $0x1082;
	[sflag:s4] =	ssyncset.s32 $0xFFFFF086  }
0x25: {  	[simem:s6], [sflag:s4] =	dma.local [hbm:s3], $0xF7A  }
0x26: {  	[smem:$0x3F9D] =	sst s1;
	(tag) =	ssettag s2;
	_ =	strace s9  }
0x27: {  	s1 =	sld [smem:$0x3FAD]  }
0x28: {  	s2 =	sld [smem:$0x3FAE]  }
0x29: {  	s4 =	sld [smem:$0x3FB0]  }
0x2a: {  	p0 =	seq.s32 s5, $0x0;
	s5 =	sld [smem:$0x3FB1]  }
0x2b: {  	s6 =	sld [smem:$0x3FB2]  }
0x2c: {  	s7 =	sld [smem:$0x3FB3]  }
0x2d: {  	s3 =	simm.s32 $0x108;
	s8 =	sld [smem:$0x3FB4]  }
0x2e: {  	s3 =	simm.s32 @!p0 $0x1082;
	s9 =	sld [smem:$0x3FB5]  }
0x2f: {  	lr =	sadd.s32 s0, s3;
	s0 =	sld [smem:$0x3FAC]  }
0x30: {  	s3 =	sld [smem:$0x3FAF]  }
0x31: {  	[smem:$0x3FB8] =	sst s10  }
0x32: {  	s10 =	sld [smem:$0x3FB6];
	_ =	sdelay $0x3  }
0x33: {  	p0 =	seq.s32 s10, $0x1;
	s10 =	sld [smem:$0x3FB8];
	_ =	sdelay $0x3  }
0x34: {  	[smem:$0x3FB8] =	sst s10  }
0x35: {  	s10 =	sld [smem:$0x3FB7];
	_ =	sdelay $0x3  }
0x36: {  	p1 =	seq.s32 s10, $0x1;
	s10 =	sld [smem:$0x3FB8];
	_ =	sdelay $0x3  }
0x37: {  	[smem:$0x3FB8] =	sst s10  }
0x38: {  	s10 =	sld [smem:$0x3FB9]  }
0x39: {  	_ = 	snop;
	(pc) =	sbr.ind lr, $3  }
0x3a: {  	_ = 	snop  }
0x3b: {  	_ = 	snop  }
0x3c: {  	p2 =	seq.s32 s10, $0x1;
	s10 =	sld [smem:$0x3FB8]  }
0x3d: {  	_ =	shalt  }
0x3e: {  	_ =	shalt  }
0x3f: {  	_ =	shalt  }
0x40: {  	_ =	shalt  }
0x41: {  	_ =	shalt  }
0x42: {  	_ =	shalt  }
0x43: {  	_ =	shalt  }
0x44: {  	_ =	shalt  }
0x45: {  	_ =	shalt  }
0x46: {  	_ =	shalt  }
0x47: {  	_ =	shalt  }
0x48: {  	_ =	shalt  }
0x49: {  	_ =	shalt  }
0x4a: {  	_ =	shalt  }
0x4b: {  	_ =	shalt  }
0x4c: {  	_ =	shalt  }
0x4d: {  	_ =	shalt  }
0x4e: {  	_ =	shalt  }
0x4f: {  	_ =	shalt  }
0x50: {  	_ =	shalt  }
0x51: {  	_ =	shalt  }
0x52: {  	_ =	shalt  }
0x53: {  	_ =	shalt  }
0x54: {  	_ =	shalt  }
0x55: {  	_ =	shalt  }
0x56: {  	_ =	shalt  }
0x57: {  	_ =	shalt  }
0x58: {  	_ =	shalt  }
0x59: {  	_ =	shalt  }
0x5a: {  	_ =	shalt  }
0x5b: {  	_ =	shalt  }
0x5c: {  	_ =	shalt  }
0x5d: {  	_ =	shalt  }
0x5e: {  	_ =	shalt  }
0x5f: {  	_ =	shalt  }
0x60: {  	_ =	shalt  }
0x61: {  	_ =	shalt  }
0x62: {  	_ =	shalt  }
0x63: {  	_ =	shalt  }
0x64: {  	_ =	shalt  }
0x65: {  	_ =	shalt  }
0x66: {  	_ =	shalt  }
0x67: {  	_ =	shalt  }
0x68: {  	_ =	shalt  }
0x69: {  	_ =	shalt  }
0x6a: {  	_ =	shalt  }
0x6b: {  	_ =	shalt  }
0x6c: {  	_ =	shalt  }
0x6d: {  	_ =	shalt  }
0x6e: {  	_ =	shalt  }
0x6f: {  	_ =	shalt  }
0x70: {  	_ =	shalt  }
0x71: {  	_ =	shalt  }
0x72: {  	_ =	shalt  }
0x73: {  	_ =	shalt  }
0x74: {  	_ =	shalt  }
0x75: {  	_ =	shalt  }
0x76: {  	_ =	shalt  }
0x77: {  	_ =	shalt  }
0x78: {  	_ =	shalt  }
0x79: {  	_ =	shalt  }
0x7a: {  	_ =	shalt  }
0x7b: {  	_ =	shalt  }
0x7c: {  	_ =	shalt  }
0x7d: {  	_ =	shalt  }
0x7e: {  	_ =	shalt  }
0x7f: {  	_ =	shalt  }
0x80: {  	_ =	shalt  }
0x81: {  	_ =	shalt  }
0x82: {  	_ =	shalt  }
0x83: {  	_ =	shalt  }
0x84: {  	_ =	shalt  }
0x85: {  	_ =	shalt  }
0x86: {  	_ =	shalt  }
0x87: {  	_ =	shalt  }
.Lfunc_end0:
.L_simem_size_0:
called_computation.1_lowered:
.L_overlay_start_0:
0x88: {  	s2 =	sld [smem:$0x3FD9]  }
0x89: {  	s3 =	sld [smem:$0x3FFE];
	_ =	sdelay $0x1  }
0x8a: {  	s1 =	srdreg.scid  }
0x8b: {  	s0 =	sand.u32 $0x1, s1  }
0x8c: {  	s17 =	sshll.u32 s0, $0xA;
	s2 =	sadd.s32 s3, s2  }
0x8d: {  	s2 =	sadd.s32 s2, s17  }
0x8e: {  	[smem:$0x3FC4] =	sst s2  }
0x8f: {  	_ = 	snop  }
0x90: {  	s2 =	sld [smem:$0x3FD0];
	(tm) =	ssettm $0x1  }
0x91: {  	s18 =	sld [smem:$0x3FFB];
	_ =	sdelay $0x3  }
0x92: {  	_ =	strace s18  }
0x93: {  	s3 =	sld [smem:$0x3FFC];
	_ =	sdelay $0x3  }
0x94: {  	_ =	strace s3  }
0x95: {  	s3 =	sld [smem:$0x3FFD];
	_ =	sdelay $0x3  }
0x96: {  	_ =	strace s3  }
0x97: {  	_ =	strace $0x8FFFFFFF  }
0x98: {  	s19 =	sld [smem:$0x3FDB];
	_ =	sdelay $0x1  }
0x99: {  	s4 =	simm.s32 $_scs_section_size  }
0x9a: {  	s5 =	simm.s32 $_size__tile_overlayer_lowered;
	s6 =	simm.s32 $_tile_overlayer_lowered  }
0x9b: {  	s22 =	simm.s32 $0x1BFF;
	s21 =	sshll.u32 s6, $0x1;
	s3 =	sadd.s32 s4, s19  }
0x9c: {  	s7 =	simm.s32 $0x0;
	s20 =	sshll.u32 s5, $0x1;
	s5 =	sadd.s32 s21, s3  }
0x9d: {  	[timem:s7], [sflag:s22] =	dma.local [hbm:s5], s20  }
0x9e: {  	_ =	swait.ge [sflag:s22], s20  }
0x9f: {  	s4 =	ssub.s32 $0x0, s20;
	[sflag:s22] =	ssyncset.done $0x0  }
0xa0: {  	[sflag:s22] =	ssyncadd.s32 s4;
	_ =	sdelay $0x1  }
0xa1: {  	s23 =	simm.s32 $0x1B8B  }
0xa2: {  	_ =	swait.ge [sflag:s23], $0x1  }
0xa3: {  	[sflag:s23] =	ssyncset.done $0x0  }
0xa4: {  	s25 =	simm.s32 $0x1B8E;
	s24 =	sld [smem:$0x3FFE];
	[sflag:s23] =	ssyncadd.s32 $0xFFFFFFFF  }
0xa5: {  	s26 =	simm.s32 $execute0_lowered;
	[smem:$0x3FD2] =	sst s25  }
0xa6: {  	s5 =	sshll.u32 s26, $0x1;
	_ =	strace $0x80000049;
	[dreg:$0x1] =	wrdreg $0xFFFFFFFF  }
0xa7: {  	s28 =	simm.s32 $_size_execute0_lowered;
	s3 =	sadd.s32 s3, s5;
	[dreg:$0x0] =	wrdreg $0x0  }
0xa8: {  	s5 =	sshll.u32 s28, $0x1;
	[dreg:$0x2] =	wrdreg s3  }
0xa9: {  	[dreg:$0x3] =	wrdreg s5  }
0xaa: {  	[dreg:$0x4] =	wrdreg $0xC0  }
0xab: {  	_ =	task [dreg:s7], $0x5FFFF  }
0xac: {  	[dreg:$0x1] =	wrdreg $0xFFFFFFFF  }
0xad: {  	[dreg:$0x0] =	wrdreg $0x60  }
0xae: {  	[dreg:$0x2] =	wrdreg s2  }
0xaf: {  	[dreg:$0x3] =	wrdreg s24  }
0xb0: {  	[dreg:$0x4] =	wrdreg $0xD0000  }
0xb1: {  	[dreg:$0x5] =	wrdreg $0x9  }
0xb2: {  	_ =	task.clear_ibuf [dreg:s7], $0x6FFFF;
	_ =	strace $0x90000049  }
0xb3: {  	s29 =	simm.s32 $0x9;
	_ =	strace $0x8000004B  }
0xb4: {  	_ =	swait.ge [sflag:s29], $0x1  }
0xb5: {  	[sflag:s29] =	ssyncadd.s32 $0xFFFFFFFF  }
0xb6: {  	_ =	strace $0x9000004B  }
0xb7: {  	_ =	sfence  }
0xb8: {  	s30 =	sld [smem:$0x0];
	_ =	sdelay $0x2  }
0xb9: {  	s31 =	sshll.u32 s1, $0xD;
	s1 =	sshrl.u32 s1, $0x2  }
0xba: {  	s3 =	sand.u32 $0x4000, s31;
	s1 =	sadd.s32 s1, s30  }
0xbb: {  	s0 =	sor.u32 s3, s0;
	s1 =	sshll.u32 s1, $0x11  }
0xbc: {  	s0 =	sor.u32 s1, s0  }
0xbd: {  	s0 =	sadd.s32 $0x8F2B, s0  }
0xbe: {  	[sflag:s0] =	ssyncadd.remote.s32 $0x1  }
0xbf: {  	_ =	sfence.sel $0xFFFF  }
0xc0: {  	[dreg:$0x0] =	wrdreg $0xFFFFFFFF;
	(pc) =	sbr.abs _section_cstart, $3  }
0xc1: {  	[dreg:$0x1] =	wrdreg $0xFFFFFFFF  }
0xc2: {  	_ =	task.clear_ibuf [dreg:s7], $0x2FFFF;
	_ =	strace $0x9FFFFFFF  }
0xc3: {  	(tm) =	ssettm $0x7FFFFFFF  }
tec
execute0_lowered:
.L_overlay_start_1:
0x0: {  	(tag) =	ssettag $0x1  }
0x1: {  	s0 =	rddreg [dreg:$0x0]  }
0x2: {  	s8 =	rddreg [dreg:$0x1]  }
0x3: {  	s1 =	srdreg.scid;
	s3 =	rddreg [dreg:$0x2]  }
0x4: {  	s2 =	stileid.u32;
	s4 =	simm.s32 $0x0;
	s14 =	simm.s32 $0x80  }
0x5: {  	s15 =	simm.s32 $0x5000;
	s16 =	simm.s32 $0x7000;
	s17 =	simm.s32 $0x100  }
0x6: {  	s18 =	simm.s32 $0x9000;
	s19 =	simm.s32 $0x180;
	s20 =	simm.s32 $0xB000  }
0x7: {  	s21 =	simm.s32 $0x1;
	s22 =	simm.s32 $0x2;
	s23 =	simm.s32 $0x3  }
0x8: {  	s24 =	simm.s32 $0x4;
	s25 =	simm.s32 $0x4E00;
	s26 =	simm.s32 $0x4E80  }
0x9: {  	s28 =	simm.s32 $0x4F00;
	s29 =	simm.s32 $0x4F80;
	s30 =	simm.s32 $0x0  }
0xa: {  	s1 =	sand.u32 $0x1, s1;
	[smem:$0x7FF] =	sst s4;
	s10 =	smul.u32 $0xA000, s2  }
0xb: {  	s31 =	sshll.u32 s2, $0x6;
	s5 =	sshll.u32 s1, $0x4;
	_ =	strace $0x8000004A  }
0xc: {  	s6 =	ssub.s32 $0x2, s1;
	p0 =	seq.s32 s1, $0x1;
	s1 =	simm.s32 $0x3F400  }
0xd: {  	s12 =	sor.u32 $0x1C05, s31;
	s5 =	sor.u32 s2, s5;
	s9 =	sshrl.u32 s6, $0x1  }
0xe: {  	s1 =	simm.s32 @!p0 $0x53400;
	s11 =	sshrl.u32 s10, $0x3;
	s5 =	smul.u32 $0x500, s5  }
0xf: {  	s13 =	sadd.s32 s10, s3;
	s10 =	simm.s32 $0x5;
	s9 =	ssub.s32 s6, s9  }
0x10: {  	s1 =	sadd.s32 s1, s8;
	s13 =	sshrl.u32 s13, $0x3;
	s7 =	sadd.s32 s5, s8  }
0x11: {  	s5 =	sadd.s32 $0x3E000, s8;
	s8 =	smax.u32 s9, $0x1;
	s9 =	sadd.s32 s1, s11  }
0x12: {  	s11 =	simm.s32 $0x2800;
	s6 =	sadd.s32 $0xCE00, s7;
	s7 =	sadd.s32 $0x1E00, s7  }
.LBB2_1:
0x13: {  	[tilespmem:s4], [sflag:$0x5] =	stream.linear.gather [hbm4b:s6+s4], $0x2800, $0x38;
	[tilespmem:$0x17000] =	vst v63  }
0x14: {  	_ =	swait.ge [sflag:s10], $0x2800  }
0x15: {  	[sflag:s10] =	ssyncset.done $0x0  }
0x16: {  	[sflag:s10] =	ssyncadd.s32 $0xFFFFD800  }
0x17: {  	[tilespmem:s11], [sflag:$0x5] =	stream.linear.gather [hbm4b:s7+s4], $0x2800, $0x38;
	[tilespmem:$0x17000] =	vst v63  }
0x18: {  	_ =	swait.ge [sflag:s10], $0x2800  }
0x19: {  	[sflag:s10] =	ssyncset.done $0x0  }
0x1a: {  	[sflag:s10] =	ssyncadd.s32 $0xFFFFD800  }
0x1b: {  	[spmem:s13], [sflag:s12] =	dma.local [hbm:s5], $0x1400  }
0x1c: {  	_ =	swait.ge [sflag:s10], $0x1400  }
0x1d: {  	[sflag:s10] =	ssyncset.done $0x0  }
0x1e: {  	[sflag:s10] =	ssyncadd.s32 $0xFFFFEC00  }
0x1f: {  	[bflag:$0x0] =	sbarrier.arrive $0xFFFF  }
0x20: {  	[tilespmem:s15], [sflag:$0x1] =	stream.indirect.gather [hbm4b:s0+s14], $0x40, s4, s14, $0xb8;
	[tilespmem:$0x17000] =	vst v63  }
0x21: {  	_ = 	snop  }
0x22: {  	[tilespmem:s16], [sflag:$0x2] =	stream.indirect.gather [hbm4b:s0+s14], $0x40, s14, s14, $0xb8;
	[tilespmem:$0x17000] =	vst v63  }
0x23: {  	_ = 	snop  }
0x24: {  	[tilespmem:s18], [sflag:$0x3] =	stream.indirect.gather [hbm4b:s0+s14], $0x40, s17, s14, $0xb8;
	[tilespmem:$0x17000] =	vst v63  }
0x25: {  	_ = 	snop  }
0x26: {  	[tilespmem:s20], [sflag:$0x4] =	stream.indirect.gather [hbm4b:s0+s14], $0x40, s19, s14, $0xb8;
	[tilespmem:$0x17000] =	vst v63  }
0x27: {  	_ =	swait.ge [sflag:s21], $0x2000  }
0x28: {  	[sflag:s21] =	ssyncset.done $0x0  }
0x29: {  	s1 =	simm.s32 $0x2800;
	[sflag:s21] =	ssyncadd.s32 $0xFFFFE000  }
0x2a: {  	[spmem:s3] =	stream.indirect.scatter.add.f32 [tilespmem:s15], [sflag:$0x5], $0x40, s1, s14, $0xb8;
	[tilespmem:$0x17000] =	vst v63  }
0x2b: {  	_ =	swait.ge [sflag:s10], $0x2000  }
0x2c: {  	[sflag:s10] =	ssyncset.done $0x0  }
0x2d: {  	s2 =	simm.s32 $0x200;
	[sflag:s10] =	ssyncadd.s32 $0xFFFFE000  }
0x2e: {  	[tilespmem:s15], [sflag:$0x1] =	stream.indirect.gather [hbm4b:s0+s14], $0x40, s2, s14, $0xb8;
	[tilespmem:$0x17000] =	vst v63  }
0x2f: {  	_ =	swait.ge [sflag:s22], $0x2000  }
0x30: {  	[sflag:s22] =	ssyncset.done $0x0  }
0x31: {  	s2 =	simm.s32 $0x2880;
	[sflag:s22] =	ssyncadd.s32 $0xFFFFE000  }
0x32: {  	[spmem:s3] =	stream.indirect.scatter.add.f32 [tilespmem:s16], [sflag:$0x5], $0x40, s2, s14, $0xb8;
	[tilespmem:$0x17000] =	vst v63  }
0x33: {  	_ =	swait.ge [sflag:s10], $0x2000  }
0x34: {  	[sflag:s10] =	ssyncset.done $0x0  }
0x35: {  	s2 =	simm.s32 $0x280;
	[sflag:s10] =	ssyncadd.s32 $0xFFFFE000  }
0x36: {  	[tilespmem:s16], [sflag:$0x2] =	stream.indirect.gather [hbm4b:s0+s14], $0x40, s2, s14, $0xb8;
	[tilespmem:$0x17000] =	vst v63  }
0x37: {  	_ =	swait.ge [sflag:s23], $0x2000  }
0x38: {  	[sflag:s23] =	ssyncset.done $0x0  }
0x39: {  	s2 =	simm.s32 $0x2900;
	[sflag:s23] =	ssyncadd.s32 $0xFFFFE000  }
0x3a: {  	[spmem:s3] =	stream.indirect.scatter.add.f32 [tilespmem:s18], [sflag:$0x5], $0x40, s2, s14, $0xb8;
	[tilespmem:$0x17000] =	vst v63  }
0x3b: {  	_ =	swait.ge [sflag:s10], $0x2000  }
0x3c: {  	[sflag:s10] =	ssyncset.done $0x0  }
0x3d: {  	s2 =	simm.s32 $0x300;
	[sflag:s10] =	ssyncadd.s32 $0xFFFFE000  }
0x3e: {  	[tilespmem:s18], [sflag:$0x3] =	stream.indirect.gather [hbm4b:s0+s14], $0x40, s2, s14, $0xb8;
	[tilespmem:$0x17000] =	vst v63  }
0x3f: {  	_ =	swait.ge [sflag:s24], $0x2000  }
0x40: {  	[sflag:s24] =	ssyncset.done $0x0  }
0x41: {  	s2 =	simm.s32 $0x2980;
	[sflag:s24] =	ssyncadd.s32 $0xFFFFE000  }
0x42: {  	[spmem:s3] =	stream.indirect.scatter.add.f32 [tilespmem:s20], [sflag:$0x5], $0x40, s2, s14, $0xb8;
	[tilespmem:$0x17000] =	vst v63  }
0x43: {  	_ =	swait.ge [sflag:s10], $0x2000  }
0x44: {  	[sflag:s10] =	ssyncset.done $0x0  }
0x45: {  	s31 =	simm.s32 $0x800;
	s1 =	simm.s32 $0x380;
	[sflag:s10] =	ssyncadd.s32 $0xFFFFE000  }
.LBB2_2:
0x46: {  	[tilespmem:s20], [sflag:$0x4] =	stream.indirect.gather [hbm4b:s0+s14], $0x40, s1, s14, $0xb8;
	[tilespmem:$0x17000] =	vst v63  }
0x47: {  	s1 =	smov.u32 s31  }
0x48: {  	p0 =	sne.s32 s31, $0x9000;
	s31 =	sadd.s32 $0x800, s31;
	_ =	swait.ge [sflag:s21], $0x2000  }
0x49: {  	s1 =	sshra.s32 s1, $0x2;
	[sflag:s21] =	ssyncset.done $0x0  }
0x4a: {  	s2 =	sadd.s32 $0x2800, s1;
	[sflag:s21] =	ssyncadd.s32 $0xFFFFE000  }
0x4b: {  	[spmem:s3] =	stream.indirect.scatter.add.f32 [tilespmem:s15], [sflag:$0x5], $0x40, s2, s14, $0xb8;
	[tilespmem:$0x17000] =	vst v63  }
0x4c: {  	_ =	swait.ge [sflag:s10], $0x2000  }
0x4d: {  	[sflag:s10] =	ssyncset.done $0x0  }
0x4e: {  	s2 =	sadd.s32 $0x200, s1;
	[sflag:s10] =	ssyncadd.s32 $0xFFFFE000  }
0x4f: {  	[tilespmem:s15], [sflag:$0x1] =	stream.indirect.gather [hbm4b:s0+s14], $0x40, s2, s14, $0xb8;
	[tilespmem:$0x17000] =	vst v63  }
0x50: {  	_ =	swait.ge [sflag:s22], $0x2000  }
0x51: {  	[sflag:s22] =	ssyncset.done $0x0  }
0x52: {  	s2 =	sadd.s32 $0x2880, s1;
	[sflag:s22] =	ssyncadd.s32 $0xFFFFE000  }
0x53: {  	[spmem:s3] =	stream.indirect.scatter.add.f32 [tilespmem:s16], [sflag:$0x5], $0x40, s2, s14, $0xb8;
	[tilespmem:$0x17000] =	vst v63  }
0x54: {  	_ =	swait.ge [sflag:s10], $0x2000  }
0x55: {  	[sflag:s10] =	ssyncset.done $0x0  }
0x56: {  	s2 =	sadd.s32 $0x280, s1;
	[sflag:s10] =	ssyncadd.s32 $0xFFFFE000  }
0x57: {  	[tilespmem:s16], [sflag:$0x2] =	stream.indirect.gather [hbm4b:s0+s14], $0x40, s2, s14, $0xb8;
	[tilespmem:$0x17000] =	vst v63  }
0x58: {  	_ =	swait.ge [sflag:s23], $0x2000  }
0x59: {  	[sflag:s23] =	ssyncset.done $0x0  }
0x5a: {  	s2 =	sadd.s32 $0x2900, s1;
	[sflag:s23] =	ssyncadd.s32 $0xFFFFE000  }
0x5b: {  	[spmem:s3] =	stream.indirect.scatter.add.f32 [tilespmem:s18], [sflag:$0x5], $0x40, s2, s14, $0xb8;
	[tilespmem:$0x17000] =	vst v63  }
0x5c: {  	_ =	swait.ge [sflag:s10], $0x2000  }
0x5d: {  	[sflag:s10] =	ssyncset.done $0x0  }
0x5e: {  	s2 =	sadd.s32 $0x300, s1;
	[sflag:s10] =	ssyncadd.s32 $0xFFFFE000  }
0x5f: {  	[tilespmem:s18], [sflag:$0x3] =	stream.indirect.gather [hbm4b:s0+s14], $0x40, s2, s14, $0xb8;
	[tilespmem:$0x17000] =	vst v63  }
0x60: {  	_ =	swait.ge [sflag:s24], $0x2000  }
0x61: {  	[sflag:s24] =	ssyncset.done $0x0  }
.Ltmp0:
0x62: {  	s2 =	sadd.s32 $0x2980, s1;
	[sflag:s24] =	ssyncadd.s32 $0xFFFFE000;
	(pc) =	sbr.rel @p0 .LBB2_2-.Ltmp0, $4  }
0x63: {  	[spmem:s3] =	stream.indirect.scatter.add.f32 [tilespmem:s20], [sflag:$0x5], $0x40, s2, s14, $0xb8;
	[tilespmem:$0x17000] =	vst v63  }
0x64: {  	_ =	swait.ge [sflag:s10], $0x2000  }
0x65: {  	[sflag:s10] =	ssyncset.done $0x0  }
0x66: {  	s1 =	sadd.s32 $0x380, s1;
	[sflag:s10] =	ssyncadd.s32 $0xFFFFE000  }
0x67: {  	[tilespmem:s20], [sflag:$0x4] =	stream.indirect.gather [hbm4b:s0+s14], $0x40, s1, s14, $0xb8;
	[tilespmem:$0x17000] =	vst v63  }
0x68: {  	_ =	swait.ge [sflag:s21], $0x2000  }
0x69: {  	[sflag:s21] =	ssyncset.done $0x0  }
0x6a: {  	[sflag:s21] =	ssyncadd.s32 $0xFFFFE000  }
0x6b: {  	[spmem:s3] =	stream.indirect.scatter.add.f32 [tilespmem:s15], [sflag:$0x5], $0x40, s25, s14, $0xb8;
	[tilespmem:$0x17000] =	vst v63  }
0x6c: {  	_ =	swait.ge [sflag:s10], $0x2000  }
0x6d: {  	[sflag:s10] =	ssyncset.done $0x0  }
0x6e: {  	[sflag:s10] =	ssyncadd.s32 $0xFFFFE000  }
0x6f: {  	_ =	swait.ge [sflag:s22], $0x2000  }
0x70: {  	[sflag:s22] =	ssyncset.done $0x0  }
0x71: {  	[sflag:s22] =	ssyncadd.s32 $0xFFFFE000  }
0x72: {  	[spmem:s3] =	stream.indirect.scatter.add.f32 [tilespmem:s16], [sflag:$0x5], $0x40, s26, s14, $0xb8;
	[tilespmem:$0x17000] =	vst v63  }
0x73: {  	_ =	swait.ge [sflag:s10], $0x2000  }
0x74: {  	[sflag:s10] =	ssyncset.done $0x0  }
0x75: {  	[sflag:s10] =	ssyncadd.s32 $0xFFFFE000  }
0x76: {  	_ =	swait.ge [sflag:s23], $0x2000  }
0x77: {  	[sflag:s23] =	ssyncset.done $0x0  }
0x78: {  	[sflag:s23] =	ssyncadd.s32 $0xFFFFE000  }
0x79: {  	[spmem:s3] =	stream.indirect.scatter.add.f32 [tilespmem:s18], [sflag:$0x5], $0x40, s28, s14, $0xb8;
	[tilespmem:$0x17000] =	vst v63  }
0x7a: {  	_ =	swait.ge [sflag:s10], $0x2000  }
0x7b: {  	[sflag:s10] =	ssyncset.done $0x0  }
0x7c: {  	[sflag:s10] =	ssyncadd.s32 $0xFFFFE000  }
0x7d: {  	_ =	swait.ge [sflag:s24], $0x2000  }
0x7e: {  	[sflag:s24] =	ssyncset.done $0x0  }
0x7f: {  	[sflag:s24] =	ssyncadd.s32 $0xFFFFE000  }
0x80: {  	[spmem:s3] =	stream.indirect.scatter.add.f32 [tilespmem:s20], [sflag:$0x5], $0x40, s29, s14, $0xb8;
	[tilespmem:$0x17000] =	vst v63  }
0x81: {  	_ =	swait.ge [sflag:s10], $0x2000  }
0x82: {  	s30 =	sadd.s32 $0x1, s30;
	[sflag:s10] =	ssyncset.done $0x0  }
0x83: {  	p0 =	sne.s32 s30, s8;
	[sflag:s10] =	ssyncadd.s32 $0xFFFFE000  }
.Ltmp1:
0x84: {  	[bflag:$0x0] =	sbarrier.arrive $0xFFFF;
	(pc) =	sbr.rel @p0 .LBB2_1-.Ltmp1, $4  }
0x85: {  	[hbm:s9], [sflag:s12] =	dma.local [spmem:s13], $0x1400  }
0x86: {  	_ =	swait.ge [sflag:s10], $0x1400  }
0x87: {  	[sflag:s10] =	ssyncset.done $0x0  }
0x88: {  	[sflag:s10] =	ssyncadd.s32 $0xFFFFEC00  }
0x89: {  	_ =	sfence.sel $0x180000  }
0x8a: {  	[bflag:$0x0] =	sbarrier.arrive $0xFFFF  }
0x8b: {  	_ =	strace $0x9000004A  }
0x8c: {  	s0 =	stileid.u32;
	[bflag:$0x2] =	sbarrier.arrive $0xFFFF  }
0x8d: {  	p0 =	sne.s32 s0, $0x0;
	s0 =	rddreg [dreg:$0x3]  }
0x8e: {  	s0 =	sadd.s32 @!p0 $0x100000, s0  }
0x8f: {  	[sflag:s0] =	ssyncadd.tile.s32 @!p0 $0x1;
	_ =	shalt  }
.Lfunc_end2:
_tile_overlayer_lowered:
.L_overlay_start_2:
0x90: {  	(tag) =	ssettag $0x2  }
0x91: {  	s0 =	rddreg [dreg:$0x0];
	s2 =	stileid.u32  }
0x92: {  	s1 =	rddreg [dreg:$0x1];
	p0 =	sne.s32 s2, $0x0  }
0x93: {  	s3 =	rddreg [dreg:$0x2];
	[bflag:$0x3] =	sbarrier.arrive $0xFFFF;
	s2 =	simm.s32 @!p0 $0x1C05  }
0x94: {  	[timem:s3], [sflag:s2] =	dma.local @!p0 [hbm:s0], s1  }
0x95: {  	s0 =	simm.s32 @!p0 $0x5  }
0x96: {  	_ =	swait.ge @!p0 [sflag:s0], s1  }
0x97: {  	s1 =	ssub.s32 @!p0 $0x0, s1;
	[sflag:s0] =	ssyncset.done @!p0 $0x0  }
0x98: {  	[sflag:s0] =	ssyncadd.s32 @!p0 s1  }
0x99: {  	[bflag:$0x3] =	sbarrier.arrive $0xFFFF  }
0x9a: {  	_ =	shalt  }

</sc_bundles>
